<compile_context>
chip_gen: v7x
topology: tpu7x:2x2x1
jax: 0.10.2.dev20260603
libtpu: 0.0.44.dev20260713+nightly
codegen_flags: <defaults>
</compile_context>

<pallas_src>
import functools

import jax
import jax.numpy as jnp
from jax import lax
from jax.experimental import pallas as pl
from jax.experimental.pallas import tpu as pltpu
from jax.experimental.pallas import tpu_sc as plsc

B, AT, NBR, F = 8, 96, 16, 128
K = NBR - 1
NT = B * AT * NBR
NOUT = NT * K
NW = 32
ROWS_W = NOUT // NW
ATOMS_W = ROWS_W // (K * NBR)
CHUNK = 128
NCH = ROWS_W // CHUNK


@functools.partial(
    pl.kernel,
    mesh=plsc.VectorSubcoreMesh(core_axis_name="c", subcore_axis_name="s"),
    out_type=jax.ShapeDtypeStruct((NOUT, F), jnp.float32),
    compiler_params=pltpu.CompilerParams(needs_layout_passes=False),
    scratch_types=[
        pltpu.VMEM_SHARED((NT // 2, F), jnp.float32),
        pltpu.VMEM((ATOMS_W * NBR,), jnp.int32),
        pltpu.VMEM((ROWS_W,), jnp.int32),
        pltpu.VMEM((CHUNK, F), jnp.float32),
        pltpu.VMEM((CHUNK, F), jnp.float32),
        pltpu.VMEM((CHUNK, F), jnp.float32),
        pltpu.VMEM((CHUNK, F), jnp.float32),
        pltpu.SemaphoreType.DMA,
        pltpu.SemaphoreType.DMA,
        pltpu.SemaphoreType.DMA,
        pltpu.SemaphoreType.DMA,
        pltpu.SemaphoreType.DMA,
        pltpu.SemaphoreType.DMA,
        pltpu.SemaphoreType.DMA,
        pltpu.SemaphoreType.DMA,
        pltpu.SemaphoreType.DMA,
    ],
)
def _gather_kernel(table_hbm, nbr_hbm, out_hbm, slab, nbr_v, idx_v,
                   stage_0, stage_1, stage_2, stage_3,
                   gsem_0, gsem_1, gsem_2, gsem_3,
                   wsem_0, wsem_1, wsem_2, wsem_3, ssem):
    stages = [stage_0, stage_1, stage_2, stage_3]
    gsems = [gsem_0, gsem_1, gsem_2, gsem_3]
    wsems = [wsem_0, wsem_1, wsem_2, wsem_3]
    cid = lax.axis_index("c")
    sid = lax.axis_index("s")
    wid = cid * 16 + sid
    atom_base = wid * ATOMS_W
    row_base = wid * ROWS_W
    mol = atom_base // AT

    slab_rows = NT // 2 // 16
    slab_src = table_hbm.at[pl.ds(cid * (NT // 2) + sid * slab_rows, slab_rows)]
    slab_dst = slab.at[pl.ds(sid * slab_rows, slab_rows)]
    pltpu.async_copy(slab_src, slab_dst, ssem)
    pltpu.sync_copy(nbr_hbm.at[pl.ds(atom_base * NBR, ATOMS_W * NBR)], nbr_v)

    iota = lax.iota(jnp.int32, 16)
    kcols = [s - lax.shift_right_arithmetic(iota - (s + 1), 31) for s in range(K)]

    mol_loc = mol - cid * (B // 2)

    def build_atom(m, carry):
        base_vec = (nbr_v[pl.ds(m * NBR, NBR)] + mol_loc * AT) * NBR
        for s in range(K):
            idx_v[pl.ds((m * K + s) * NBR, NBR)] = base_vec + kcols[s]
        return carry

    lax.fori_loop(0, ATOMS_W, build_atom, 0)

    pltpu.make_async_copy(slab_src, slab_dst, ssem).wait()
    plsc.subcore_barrier()

    def g_start(c, stage, sem):
        pltpu.async_copy(slab.at[idx_v.at[pl.ds(c * CHUNK, CHUNK)]], stage, sem)

    def g_wait(c, stage, sem):
        pltpu.make_async_copy(
            slab.at[idx_v.at[pl.ds(c * CHUNK, CHUNK)]], stage, sem
        ).wait()

    def w_start(c, stage, sem):
        pltpu.async_copy(stage, out_hbm.at[pl.ds(row_base + c * CHUNK, CHUNK)], sem)

    def w_drain(c, stage, sem):
        pltpu.make_async_copy(
            stage, out_hbm.at[pl.ds(row_base + c * CHUNK, CHUNK)], sem
        ).wait()

    g_start(0, stages[0], gsems[0])
    g_start(1, stages[1], gsems[1])

    def ring_step(h, carry):
        for k in range(4):
            c = h * 4 + k
            kn = (k + 2) % 4

            @pl.when(c < NCH)
            def _(c=c, k=k, kn=kn):
                @pl.when(c >= 2)
                def _():
                    w_drain(c - 2, stages[kn], wsems[kn])

                @pl.when(c + 2 < NCH)
                def _():
                    g_start(c + 2, stages[kn], gsems[kn])

                g_wait(c, stages[k], gsems[k])
                w_start(c, stages[k], wsems[k])

        return carry

    lax.fori_loop(0, (NCH + 3) // 4, ring_step, 0)

    w_drain(NCH - 2, stages[(NCH - 2) % 4], wsems[(NCH - 2) % 4])
    w_drain(NCH - 1, stages[(NCH - 1) % 4], wsems[(NCH - 1) % 4])


def kernel(edge_embedding, nbr_idx):
    table = edge_embedding.reshape(NT, F)
    nbr_flat = nbr_idx.reshape(NT)
    out = _gather_kernel(table, nbr_flat)
    return out.reshape(B, AT, K, NBR, F).transpose(0, 1, 3, 2, 4)

# --- scband reference (transcript-rebuilt; emitter-appended) ---
"""Pipeline reference for scband-get-edge-k-61332132987195 (READ-ONLY COPY).

The authoritative reference and input builder live on the scoring server;
editing this copy changes nothing except your own understanding.
"""

import jax, jax.numpy as jnp
import numpy as np

B, AT, NBR, F = 8, 96, 16, 128


def setup_inputs(seed: int = 0) -> dict:
    key = jax.random.key(seed)
    k1, k2 = jax.random.split(key)
    edge_embedding = jax.random.normal(k1, (B, AT, NBR, F), dtype=jnp.float32)
    nbr_idx = jax.random.randint(k2, (B, AT, NBR), 0, AT, dtype=jnp.int32)
    return {"edge_embedding": edge_embedding, "nbr_idx": nbr_idx}


def reference(edge_embedding, nbr_idx):
    b, at, nbr = nbr_idx.shape
    f = edge_embedding.shape[-1]
    # torch.gather(edge_embedding, 1, nbr_idx expanded to (B, At*Nbr, Nbr, F)):
    # index is constant along dims 2,3 so it is a row gather along the atom axis.
    flat_idx = nbr_idx.reshape(b, at * nbr)
    edge_embedding_expand = jnp.take_along_axis(
        edge_embedding, flat_idx[:, :, None, None], axis=1
    )  # (B, At*Nbr, Nbr, F)
    edge_embedding_expand = edge_embedding_expand.reshape(b, at, nbr, nbr, f)
    # nbr_idx_expand = gather(nbr_idx, 1, nbr_idx_2)  (computed in the torch code)
    nbr_idx_expand = jnp.take_along_axis(nbr_idx, flat_idx[:, :, None], axis=1).reshape(
        b, at, nbr, nbr
    )
    # k_idx_list[j] = arange(Nbr) with j removed
    k_np = np.array([np.delete(np.arange(nbr), i) for i in range(nbr)])  # (Nbr, Nbr-1)
    k_idx = jnp.asarray(k_np, dtype=nbr_idx.dtype)
    k_idx_b = jnp.broadcast_to(k_idx[None, None, :, :], (b, at, nbr, nbr - 1))
    # nbr_k = gather(nbr_idx.unsqueeze(2).expand(B,At,Nbr,Nbr), 3, k_idx_list)
    nbr_k = jnp.take_along_axis(
        jnp.broadcast_to(nbr_idx[:, :, None, :], (b, at, nbr, nbr)), k_idx_b, axis=3
    )
    nbr_k = jnp.broadcast_to(
        nbr_k.reshape(b, at * nbr * (nbr - 1), 1), (b, at * nbr * (nbr - 1), f)
    )
    # edge_kj: edge embeddings of the third atom k for each triple (i, j, k), k != j-slot
    edge_kj = jnp.take_along_axis(edge_embedding_expand, k_idx_b[..., None], axis=3)
    return edge_kj  # (B, At, Nbr, Nbr-1, F)

if __name__ == "__main__":
    import jax
    _d = setup_inputs()
    print(jax.jit(kernel)(*tuple(_d.values())))

</pallas_src>

<mosaic_0001>
#map = affine_map<(d0, d1) -> (0, 0)>
#map1 = affine_map<(d0, d1) -> (0)>
module attributes {stable_mosaic.version = 14 : i64} {
  func.func @_gather_kernel(%arg0: i32, %arg1: i32, %arg2: memref<12288x128xf32, #tpu.memory_space<hbm>>, %arg3: memref<12288xi32, #tpu.memory_space<hbm>>, %arg4: memref<184320x128xf32, #tpu.memory_space<hbm>>, %arg5: memref<6144x128xf32, #tpu.memory_space<vmem_shared>>, %arg6: memref<384xi32, #tpu.memory_space<vmem>>, %arg7: memref<5760xi32, #tpu.memory_space<vmem>>, %arg8: memref<128x128xf32, #tpu.memory_space<vmem>>, %arg9: memref<128x128xf32, #tpu.memory_space<vmem>>, %arg10: memref<128x128xf32, #tpu.memory_space<vmem>>, %arg11: memref<128x128xf32, #tpu.memory_space<vmem>>, %arg12: memref<!tpu.dma_semaphore, #tpu.memory_space<semaphore_mem>>, %arg13: memref<!tpu.dma_semaphore, #tpu.memory_space<semaphore_mem>>, %arg14: memref<!tpu.dma_semaphore, #tpu.memory_space<semaphore_mem>>, %arg15: memref<!tpu.dma_semaphore, #tpu.memory_space<semaphore_mem>>, %arg16: memref<!tpu.dma_semaphore, #tpu.memory_space<semaphore_mem>>, %arg17: memref<!tpu.dma_semaphore, #tpu.memory_space<semaphore_mem>>, %arg18: memref<!tpu.dma_semaphore, #tpu.memory_space<semaphore_mem>>, %arg19: memref<!tpu.dma_semaphore, #tpu.memory_space<semaphore_mem>>, %arg20: memref<!tpu.dma_semaphore, #tpu.memory_space<semaphore_mem>>) attributes {dimension_semantics = [#tpu.dimension_semantics<core_parallel>, #tpu.dimension_semantics<subcore_parallel>], iteration_bounds = array<i64: 2, 16>, scalar_prefetch = 0 : i64, scratch_operands = 16 : i64, tpu.core_type = #tpu.core_type<sc_vector_subcore>, window_params = [{transform_indices = #map}, {transform_indices = #map1}, {transform_indices = #map}]} {
    %mul3A = arith.constant 16 : i32
    %mul3A_0 = arith.muli %arg0, %mul3A : i32
    %add3A = arith.addi %mul3A_0, %arg1 : i32
    %mul3A_1 = arith.constant 24 : i32
    %mul3A_2 = arith.muli %add3A, %mul3A_1 : i32
    %mul3A_3 = arith.constant 5760 : i32
    %mul3A_4 = arith.muli %add3A, %mul3A_3 : i32
    %jit3A = arith.constant 96 : i32
    %div3A = arith.divsi %mul3A_2, %jit3A : i32
    %sign3A = arith.constant 0 : i32
    %sign3A_5 = arith.cmpi sgt, %mul3A_2, %sign3A : i32
    %sign3A_6 = arith.extui %sign3A_5 : i1 to i32
    %sign3A_7 = arith.constant 0 : i32
    %sign3A_8 = arith.cmpi slt, %mul3A_2, %sign3A_7 : i32
    %sign3A_9 = arith.extui %sign3A_8 : i1 to i32
    %sign3A_10 = arith.subi %sign3A_6, %sign3A_9 : i32
    %sign3A_11 = arith.constant 0 : i32
    %sign3A_12 = arith.cmpi sgt, %jit3A, %sign3A_11 : i32
    %sign3A_13 = arith.extui %sign3A_12 : i1 to i32
    %sign3A_14 = arith.constant 0 : i32
    %sign3A_15 = arith.cmpi slt, %jit3A, %sign3A_14 : i32
    %sign3A_16 = arith.extui %sign3A_15 : i1 to i32
    %sign3A_17 = arith.subi %sign3A_13, %sign3A_16 : i32
    %ne3A = arith.cmpi ne, %sign3A_10, %sign3A_17 : i32
    %rem3A = arith.remsi %mul3A_2, %jit3A : i32
    %ne3A_18 = arith.constant 0 : i32
    %ne3A_19 = arith.cmpi ne, %rem3A, %ne3A_18 : i32
    %and3A = arith.andi %ne3A, %ne3A_19 : i1
    %sub3A = arith.constant 1 : i32
    %sub3A_20 = arith.subi %div3A, %sub3A : i32
    %select_n3A = arith.select %and3A, %sub3A_20, %div3A : i32
    %mul3A_21 = arith.constant 6144 : i32
    %mul3A_22 = arith.muli %arg0, %mul3A_21 : i32
    %mul3A_23 = arith.constant 384 : i32
    %mul3A_24 = arith.muli %arg1, %mul3A_23 : i32
    %add3A_25 = arith.addi %mul3A_22, %mul3A_24 : i32
    %mul3A_26 = arith.constant 384 : i32
    %mul3A_27 = arith.muli %arg1, %mul3A_26 : i32
    %dma_start3A = arith.constant 0 : i32
    %dma_start3A_28 = tpu.memref_slice %arg5[%mul3A_27, %dma_start3A] : memref<6144x128xf32, #tpu.memory_space<vmem_shared>> -> memref<384x128xf32, #tpu.memory_space<vmem_shared>>
    %dma_start3A_29 = arith.constant 0 : i32
    %dma_start3A_30 = tpu.memref_slice %arg2[%add3A_25, %dma_start3A_29] : memref<12288x128xf32, #tpu.memory_space<hbm>> -> memref<384x128xf32, #tpu.memory_space<hbm>>
    tpu.enqueue_dma source(%dma_start3A_30 : memref<384x128xf32, #tpu.memory_space<hbm>>) target(%dma_start3A_28 : memref<384x128xf32, #tpu.memory_space<vmem_shared>>) target_semaphore(%arg20 : memref<!tpu.dma_semaphore, #tpu.memory_space<semaphore_mem>>)
    %mul3A_31 = arith.constant 16 : i32
    %mul3A_32 = arith.muli %mul3A_2, %mul3A_31 : i32
    "tpu.region"() ({
      %run_scoped3A = tpu.sem_alloc : memref<!tpu.dma_semaphore, #tpu.memory_space<semaphore_mem>>
      %dma_start3A_206 = tpu.memref_slice %arg3[%mul3A_32] : memref<12288xi32, #tpu.memory_space<hbm>> -> memref<384xi32, #tpu.memory_space<hbm>>
      %dma_start3A_207 = tpu.memref_slice %arg3[%mul3A_32] : memref<12288xi32, #tpu.memory_space<hbm>> -> memref<384xi32, #tpu.memory_space<hbm>>
      tpu.enqueue_dma source(%dma_start3A_207 : memref<384xi32, #tpu.memory_space<hbm>>) target(%arg6 : memref<384xi32, #tpu.memory_space<vmem>>) target_semaphore(%run_scoped3A : memref<!tpu.dma_semaphore, #tpu.memory_space<semaphore_mem>>)
      %dma_wait3A_208 = tpu.memref_slice %arg3[%mul3A_32] : memref<12288xi32, #tpu.memory_space<hbm>> -> memref<384xi32, #tpu.memory_space<hbm>>
      %dma_wait3A_209 = tpu.memref_slice %arg3[%mul3A_32] : memref<12288xi32, #tpu.memory_space<hbm>> -> memref<384xi32, #tpu.memory_space<hbm>>
      tpu.wait_dma2 semaphore(%run_scoped3A : memref<!tpu.dma_semaphore, #tpu.memory_space<semaphore_mem>>) src(%dma_wait3A_209 : memref<384xi32, #tpu.memory_space<hbm>>) dst(%arg6 : memref<384xi32, #tpu.memory_space<vmem>>)
      tpu.yield
    }) : () -> ()
    %iota3A = tpu.iota {dimensions = array<i32: 0>} : vector<16xi32>
    %sub3A_33 = arith.constant 1 : i32
    %sub3A_34 = vector.broadcast %sub3A_33 : i32 to vector<16xi32>
    %sub3A_35 = arith.subi %iota3A, %sub3A_34 : vector<16xi32>
    %shift_right_arithmetic3A = arith.constant 31 : i32
    %shift_right_arithmetic3A_36 = vector.broadcast %shift_right_arithmetic3A : i32 to vector<16xi32>
    %shift_right_arithmetic3A_37 = arith.shrsi %sub3A_35, %shift_right_arithmetic3A_36 : vector<16xi32>
    %sub3A_38 = arith.constant 0 : i32
    %sub3A_39 = vector.broadcast %sub3A_38 : i32 to vector<16xi32>
    %sub3A_40 = arith.subi %sub3A_39, %shift_right_arithmetic3A_37 : vector<16xi32>
    %sub3A_41 = arith.constant 2 : i32
    %sub3A_42 = vector.broadcast %sub3A_41 : i32 to vector<16xi32>
    %sub3A_43 = arith.subi %iota3A, %sub3A_42 : vector<16xi32>
    %shift_right_arithmetic3A_44 = arith.constant 31 : i32
    %shift_right_arithmetic3A_45 = vector.broadcast %shift_right_arithmetic3A_44 : i32 to vector<16xi32>
    %shift_right_arithmetic3A_46 = arith.shrsi %sub3A_43, %shift_right_arithmetic3A_45 : vector<16xi32>
    %sub3A_47 = arith.constant 1 : i32
    %sub3A_48 = vector.broadcast %sub3A_47 : i32 to vector<16xi32>
    %sub3A_49 = arith.subi %sub3A_48, %shift_right_arithmetic3A_46 : vector<16xi32>
    %sub3A_50 = arith.constant 3 : i32
    %sub3A_51 = vector.broadcast %sub3A_50 : i32 to vector<16xi32>
    %sub3A_52 = arith.subi %iota3A, %sub3A_51 : vector<16xi32>
    %shift_right_arithmetic3A_53 = arith.constant 31 : i32
    %shift_right_arithmetic3A_54 = vector.broadcast %shift_right_arithmetic3A_53 : i32 to vector<16xi32>
    %shift_right_arithmetic3A_55 = arith.shrsi %sub3A_52, %shift_right_arithmetic3A_54 : vector<16xi32>
    %sub3A_56 = arith.constant 2 : i32
    %sub3A_57 = vector.broadcast %sub3A_56 : i32 to vector<16xi32>
    %sub3A_58 = arith.subi %sub3A_57, %shift_right_arithmetic3A_55 : vector<16xi32>
    %sub3A_59 = arith.constant 4 : i32
    %sub3A_60 = vector.broadcast %sub3A_59 : i32 to vector<16xi32>
    %sub3A_61 = arith.subi %iota3A, %sub3A_60 : vector<16xi32>
    %shift_right_arithmetic3A_62 = arith.constant 31 : i32
    %shift_right_arithmetic3A_63 = vector.broadcast %shift_right_arithmetic3A_62 : i32 to vector<16xi32>
    %shift_right_arithmetic3A_64 = arith.shrsi %sub3A_61, %shift_right_arithmetic3A_63 : vector<16xi32>
    %sub3A_65 = arith.constant 3 : i32
    %sub3A_66 = vector.broadcast %sub3A_65 : i32 to vector<16xi32>
    %sub3A_67 = arith.subi %sub3A_66, %shift_right_arithmetic3A_64 : vector<16xi32>
    %sub3A_68 = arith.constant 5 : i32
    %sub3A_69 = vector.broadcast %sub3A_68 : i32 to vector<16xi32>
    %sub3A_70 = arith.subi %iota3A, %sub3A_69 : vector<16xi32>
    %shift_right_arithmetic3A_71 = arith.constant 31 : i32
    %shift_right_arithmetic3A_72 = vector.broadcast %shift_right_arithmetic3A_71 : i32 to vector<16xi32>
    %shift_right_arithmetic3A_73 = arith.shrsi %sub3A_70, %shift_right_arithmetic3A_72 : vector<16xi32>
    %sub3A_74 = arith.constant 4 : i32
    %sub3A_75 = vector.broadcast %sub3A_74 : i32 to vector<16xi32>
    %sub3A_76 = arith.subi %sub3A_75, %shift_right_arithmetic3A_73 : vector<16xi32>
    %sub3A_77 = arith.constant 6 : i32
    %sub3A_78 = vector.broadcast %sub3A_77 : i32 to vector<16xi32>
    %sub3A_79 = arith.subi %iota3A, %sub3A_78 : vector<16xi32>
    %shift_right_arithmetic3A_80 = arith.constant 31 : i32
    %shift_right_arithmetic3A_81 = vector.broadcast %shift_right_arithmetic3A_80 : i32 to vector<16xi32>
    %shift_right_arithmetic3A_82 = arith.shrsi %sub3A_79, %shift_right_arithmetic3A_81 : vector<16xi32>
    %sub3A_83 = arith.constant 5 : i32
    %sub3A_84 = vector.broadcast %sub3A_83 : i32 to vector<16xi32>
    %sub3A_85 = arith.subi %sub3A_84, %shift_right_arithmetic3A_82 : vector<16xi32>
    %sub3A_86 = arith.constant 7 : i32
    %sub3A_87 = vector.broadcast %sub3A_86 : i32 to vector<16xi32>
    %sub3A_88 = arith.subi %iota3A, %sub3A_87 : vector<16xi32>
    %shift_right_arithmetic3A_89 = arith.constant 31 : i32
    %shift_right_arithmetic3A_90 = vector.broadcast %shift_right_arithmetic3A_89 : i32 to vector<16xi32>
    %shift_right_arithmetic3A_91 = arith.shrsi %sub3A_88, %shift_right_arithmetic3A_90 : vector<16xi32>
    %sub3A_92 = arith.constant 6 : i32
    %sub3A_93 = vector.broadcast %sub3A_92 : i32 to vector<16xi32>
    %sub3A_94 = arith.subi %sub3A_93, %shift_right_arithmetic3A_91 : vector<16xi32>
    %sub3A_95 = arith.constant 8 : i32
    %sub3A_96 = vector.broadcast %sub3A_95 : i32 to vector<16xi32>
    %sub3A_97 = arith.subi %iota3A, %sub3A_96 : vector<16xi32>
    %shift_right_arithmetic3A_98 = arith.constant 31 : i32
    %shift_right_arithmetic3A_99 = vector.broadcast %shift_right_arithmetic3A_98 : i32 to vector<16xi32>
    %shift_right_arithmetic3A_100 = arith.shrsi %sub3A_97, %shift_right_arithmetic3A_99 : vector<16xi32>
    %sub3A_101 = arith.constant 7 : i32
    %sub3A_102 = vector.broadcast %sub3A_101 : i32 to vector<16xi32>
    %sub3A_103 = arith.subi %sub3A_102, %shift_right_arithmetic3A_100 : vector<16xi32>
    %sub3A_104 = arith.constant 9 : i32
    %sub3A_105 = vector.broadcast %sub3A_104 : i32 to vector<16xi32>
    %sub3A_106 = arith.subi %iota3A, %sub3A_105 : vector<16xi32>
    %shift_right_arithmetic3A_107 = arith.constant 31 : i32
    %shift_right_arithmetic3A_108 = vector.broadcast %shift_right_arithmetic3A_107 : i32 to vector<16xi32>
    %shift_right_arithmetic3A_109 = arith.shrsi %sub3A_106, %shift_right_arithmetic3A_108 : vector<16xi32>
    %sub3A_110 = arith.constant 8 : i32
    %sub3A_111 = vector.broadcast %sub3A_110 : i32 to vector<16xi32>
    %sub3A_112 = arith.subi %sub3A_111, %shift_right_arithmetic3A_109 : vector<16xi32>
    %sub3A_113 = arith.constant 10 : i32
    %sub3A_114 = vector.broadcast %sub3A_113 : i32 to vector<16xi32>
    %sub3A_115 = arith.subi %iota3A, %sub3A_114 : vector<16xi32>
    %shift_right_arithmetic3A_116 = arith.constant 31 : i32
    %shift_right_arithmetic3A_117 = vector.broadcast %shift_right_arithmetic3A_116 : i32 to vector<16xi32>
    %shift_right_arithmetic3A_118 = arith.shrsi %sub3A_115, %shift_right_arithmetic3A_117 : vector<16xi32>
    %sub3A_119 = arith.constant 9 : i32
    %sub3A_120 = vector.broadcast %sub3A_119 : i32 to vector<16xi32>
    %sub3A_121 = arith.subi %sub3A_120, %shift_right_arithmetic3A_118 : vector<16xi32>
    %sub3A_122 = arith.constant 11 : i32
    %sub3A_123 = vector.broadcast %sub3A_122 : i32 to vector<16xi32>
    %sub3A_124 = arith.subi %iota3A, %sub3A_123 : vector<16xi32>
    %shift_right_arithmetic3A_125 = arith.constant 31 : i32
    %shift_right_arithmetic3A_126 = vector.broadcast %shift_right_arithmetic3A_125 : i32 to vector<16xi32>
    %shift_right_arithmetic3A_127 = arith.shrsi %sub3A_124, %shift_right_arithmetic3A_126 : vector<16xi32>
    %sub3A_128 = arith.constant 10 : i32
    %sub3A_129 = vector.broadcast %sub3A_128 : i32 to vector<16xi32>
    %sub3A_130 = arith.subi %sub3A_129, %shift_right_arithmetic3A_127 : vector<16xi32>
    %sub3A_131 = arith.constant 12 : i32
    %sub3A_132 = vector.broadcast %sub3A_131 : i32 to vector<16xi32>
    %sub3A_133 = arith.subi %iota3A, %sub3A_132 : vector<16xi32>
    %shift_right_arithmetic3A_134 = arith.constant 31 : i32
    %shift_right_arithmetic3A_135 = vector.broadcast %shift_right_arithmetic3A_134 : i32 to vector<16xi32>
    %shift_right_arithmetic3A_136 = arith.shrsi %sub3A_133, %shift_right_arithmetic3A_135 : vector<16xi32>
    %sub3A_137 = arith.constant 11 : i32
    %sub3A_138 = vector.broadcast %sub3A_137 : i32 to vector<16xi32>
    %sub3A_139 = arith.subi %sub3A_138, %shift_right_arithmetic3A_136 : vector<16xi32>
    %sub3A_140 = arith.constant 13 : i32
    %sub3A_141 = vector.broadcast %sub3A_140 : i32 to vector<16xi32>
    %sub3A_142 = arith.subi %iota3A, %sub3A_141 : vector<16xi32>
    %shift_right_arithmetic3A_143 = arith.constant 31 : i32
    %shift_right_arithmetic3A_144 = vector.broadcast %shift_right_arithmetic3A_143 : i32 to vector<16xi32>
    %shift_right_arithmetic3A_145 = arith.shrsi %sub3A_142, %shift_right_arithmetic3A_144 : vector<16xi32>
    %sub3A_146 = arith.constant 12 : i32
    %sub3A_147 = vector.broadcast %sub3A_146 : i32 to vector<16xi32>
    %sub3A_148 = arith.subi %sub3A_147, %shift_right_arithmetic3A_145 : vector<16xi32>
    %sub3A_149 = arith.constant 14 : i32
    %sub3A_150 = vector.broadcast %sub3A_149 : i32 to vector<16xi32>
    %sub3A_151 = arith.subi %iota3A, %sub3A_150 : vector<16xi32>
    %shift_right_arithmetic3A_152 = arith.constant 31 : i32
    %shift_right_arithmetic3A_153 = vector.broadcast %shift_right_arithmetic3A_152 : i32 to vector<16xi32>
    %shift_right_arithmetic3A_154 = arith.shrsi %sub3A_151, %shift_right_arithmetic3A_153 : vector<16xi32>
    %sub3A_155 = arith.constant 13 : i32
    %sub3A_156 = vector.broadcast %sub3A_155 : i32 to vector<16xi32>
    %sub3A_157 = arith.subi %sub3A_156, %shift_right_arithmetic3A_154 : vector<16xi32>
    %sub3A_158 = arith.constant 15 : i32
    %sub3A_159 = vector.broadcast %sub3A_158 : i32 to vector<16xi32>
    %sub3A_160 = arith.subi %iota3A, %sub3A_159 : vector<16xi32>
    %shift_right_arithmetic3A_161 = arith.constant 31 : i32
    %shift_right_arithmetic3A_162 = vector.broadcast %shift_right_arithmetic3A_161 : i32 to vector<16xi32>
    %shift_right_arithmetic3A_163 = arith.shrsi %sub3A_160, %shift_right_arithmetic3A_162 : vector<16xi32>
    %sub3A_164 = arith.constant 14 : i32
    %sub3A_165 = vector.broadcast %sub3A_164 : i32 to vector<16xi32>
    %sub3A_166 = arith.subi %sub3A_165, %shift_right_arithmetic3A_163 : vector<16xi32>
    %mul3A_167 = arith.constant 4 : i32
    %mul3A_168 = arith.muli %arg0, %mul3A_167 : i32
    %sub3A_169 = arith.subi %select_n3A, %mul3A_168 : i32
    %scan3A = arith.constant 0 : i32
    %scan3A_170 = arith.constant 0 : i32
    %scan3A_171 = arith.constant 24 : i32
    %scan3A_172 = arith.addi %scan3A_170, %scan3A_171 : i32
    %scan3A_173 = arith.constant 1 : i32
    scf.for %scan3A_206 = %scan3A_170 to %scan3A_172 step %scan3A_173  : i32 {
      %mul3A_207 = arith.constant 16 : i32
      %mul3A_208 = arith.muli %scan3A_206, %mul3A_207 : i32
      %get3A = arith.index_cast %mul3A_208 : i32 to index
      %get3A_209 = tpu.vector_load %arg6[%get3A] {strides = array<i32>} : memref<384xi32, #tpu.memory_space<vmem>>, vector<16xi32>,
      %mul3A_210 = arith.constant 96 : i32
      %mul3A_211 = arith.muli %sub3A_169, %mul3A_210 : i32
      %add3A_212 = vector.broadcast %mul3A_211 : i32 to vector<16xi32>
      %add3A_213 = arith.addi %get3A_209, %add3A_212 : vector<16xi32>
      %mul3A_214 = arith.constant 16 : i32
      %mul3A_215 = vector.broadcast %mul3A_214 : i32 to vector<16xi32>
      %mul3A_216 = arith.muli %add3A_213, %mul3A_215 : vector<16xi32>
      %add3A_217 = arith.addi %mul3A_216, %sub3A_40 : vector<16xi32>
      %mul3A_218 = arith.constant 15 : i32
      %mul3A_219 = arith.muli %scan3A_206, %mul3A_218 : i32
      %add3A_220 = arith.constant 0 : i32
      %add3A_221 = arith.addi %mul3A_219, %add3A_220 : i32
      %mul3A_222 = arith.constant 16 : i32
      %mul3A_223 = arith.muli %add3A_221, %mul3A_222 : i32
      %swap3A = arith.index_cast %mul3A_223 : i32 to index
      %swap3A_224 = tpu.vector_load %arg7[%swap3A] {strides = array<i32>} : memref<5760xi32, #tpu.memory_space<vmem>>, vector<16xi32>,
      tpu.vector_store %arg7[%swap3A], %add3A_217 {strides = array<i32>} : memref<5760xi32, #tpu.memory_space<vmem>>, vector<16xi32>,
      %add3A_225 = arith.addi %mul3A_216, %sub3A_49 : vector<16xi32>
      %mul3A_226 = arith.constant 15 : i32
      %mul3A_227 = arith.muli %scan3A_206, %mul3A_226 : i32
      %add3A_228 = arith.constant 1 : i32
      %add3A_229 = arith.addi %mul3A_227, %add3A_228 : i32
      %mul3A_230 = arith.constant 16 : i32
      %mul3A_231 = arith.muli %add3A_229, %mul3A_230 : i32
      %swap3A_232 = arith.index_cast %mul3A_231 : i32 to index
      %swap3A_233 = tpu.vector_load %arg7[%swap3A_232] {strides = array<i32>} : memref<5760xi32, #tpu.memory_space<vmem>>, vector<16xi32>,
      tpu.vector_store %arg7[%swap3A_232], %add3A_225 {strides = array<i32>} : memref<5760xi32, #tpu.memory_space<vmem>>, vector<16xi32>,
      %add3A_234 = arith.addi %mul3A_216, %sub3A_58 : vector<16xi32>
      %mul3A_235 = arith.constant 15 : i32
      %mul3A_236 = arith.muli %scan3A_206, %mul3A_235 : i32
      %add3A_237 = arith.constant 2 : i32
      %add3A_238 = arith.addi %mul3A_236, %add3A_237 : i32
      %mul3A_239 = arith.constant 16 : i32
      %mul3A_240 = arith.muli %add3A_238, %mul3A_239 : i32
      %swap3A_241 = arith.index_cast %mul3A_240 : i32 to index
      %swap3A_242 = tpu.vector_load %arg7[%swap3A_241] {strides = array<i32>} : memref<5760xi32, #tpu.memory_space<vmem>>, vector<16xi32>,
      tpu.vector_store %arg7[%swap3A_241], %add3A_234 {strides = array<i32>} : memref<5760xi32, #tpu.memory_space<vmem>>, vector<16xi32>,
      %add3A_243 = arith.addi %mul3A_216, %sub3A_67 : vector<16xi32>
      %mul3A_244 = arith.constant 15 : i32
      %mul3A_245 = arith.muli %scan3A_206, %mul3A_244 : i32
      %add3A_246 = arith.constant 3 : i32
      %add3A_247 = arith.addi %mul3A_245, %add3A_246 : i32
      %mul3A_248 = arith.constant 16 : i32
      %mul3A_249 = arith.muli %add3A_247, %mul3A_248 : i32
      %swap3A_250 = arith.index_cast %mul3A_249 : i32 to index
      %swap3A_251 = tpu.vector_load %arg7[%swap3A_250] {strides = array<i32>} : memref<5760xi32, #tpu.memory_space<vmem>>, vector<16xi32>,
      tpu.vector_store %arg7[%swap3A_250], %add3A_243 {strides = array<i32>} : memref<5760xi32, #tpu.memory_space<vmem>>, vector<16xi32>,
      %add3A_252 = arith.addi %mul3A_216, %sub3A_76 : vector<16xi32>
      %mul3A_253 = arith.constant 15 : i32
      %mul3A_254 = arith.muli %scan3A_206, %mul3A_253 : i32
      %add3A_255 = arith.constant 4 : i32
      %add3A_256 = arith.addi %mul3A_254, %add3A_255 : i32
      %mul3A_257 = arith.constant 16 : i32
      %mul3A_258 = arith.muli %add3A_256, %mul3A_257 : i32
      %swap3A_259 = arith.index_cast %mul3A_258 : i32 to index
      %swap3A_260 = tpu.vector_load %arg7[%swap3A_259] {strides = array<i32>} : memref<5760xi32, #tpu.memory_space<vmem>>, vector<16xi32>,
      tpu.vector_store %arg7[%swap3A_259], %add3A_252 {strides = array<i32>} : memref<5760xi32, #tpu.memory_space<vmem>>, vector<16xi32>,
      %add3A_261 = arith.addi %mul3A_216, %sub3A_85 : vector<16xi32>
      %mul3A_262 = arith.constant 15 : i32
      %mul3A_263 = arith.muli %scan3A_206, %mul3A_262 : i32
      %add3A_264 = arith.constant 5 : i32
      %add3A_265 = arith.addi %mul3A_263, %add3A_264 : i32
      %mul3A_266 = arith.constant 16 : i32
      %mul3A_267 = arith.muli %add3A_265, %mul3A_266 : i32
      %swap3A_268 = arith.index_cast %mul3A_267 : i32 to index
      %swap3A_269 = tpu.vector_load %arg7[%swap3A_268] {strides = array<i32>} : memref<5760xi32, #tpu.memory_space<vmem>>, vector<16xi32>,
      tpu.vector_store %arg7[%swap3A_268], %add3A_261 {strides = array<i32>} : memref<5760xi32, #tpu.memory_space<vmem>>, vector<16xi32>,
      %add3A_270 = arith.addi %mul3A_216, %sub3A_94 : vector<16xi32>
      %mul3A_271 = arith.constant 15 : i32
      %mul3A_272 = arith.muli %scan3A_206, %mul3A_271 : i32
      %add3A_273 = arith.constant 6 : i32
      %add3A_274 = arith.addi %mul3A_272, %add3A_273 : i32
      %mul3A_275 = arith.constant 16 : i32
      %mul3A_276 = arith.muli %add3A_274, %mul3A_275 : i32
      %swap3A_277 = arith.index_cast %mul3A_276 : i32 to index
      %swap3A_278 = tpu.vector_load %arg7[%swap3A_277] {strides = array<i32>} : memref<5760xi32, #tpu.memory_space<vmem>>, vector<16xi32>,
      tpu.vector_store %arg7[%swap3A_277], %add3A_270 {strides = array<i32>} : memref<5760xi32, #tpu.memory_space<vmem>>, vector<16xi32>,
      %add3A_279 = arith.addi %mul3A_216, %sub3A_103 : vector<16xi32>
      %mul3A_280 = arith.constant 15 : i32
      %mul3A_281 = arith.muli %scan3A_206, %mul3A_280 : i32
      %add3A_282 = arith.constant 7 : i32
      %add3A_283 = arith.addi %mul3A_281, %add3A_282 : i32
      %mul3A_284 = arith.constant 16 : i32
      %mul3A_285 = arith.muli %add3A_283, %mul3A_284 : i32
      %swap3A_286 = arith.index_cast %mul3A_285 : i32 to index
      %swap3A_287 = tpu.vector_load %arg7[%swap3A_286] {strides = array<i32>} : memref<5760xi32, #tpu.memory_space<vmem>>, vector<16xi32>,
      tpu.vector_store %arg7[%swap3A_286], %add3A_279 {strides = array<i32>} : memref<5760xi32, #tpu.memory_space<vmem>>, vector<16xi32>,
      %add3A_288 = arith.addi %mul3A_216, %sub3A_112 : vector<16xi32>
      %mul3A_289 = arith.constant 15 : i32
      %mul3A_290 = arith.muli %scan3A_206, %mul3A_289 : i32
      %add3A_291 = arith.constant 8 : i32
      %add3A_292 = arith.addi %mul3A_290, %add3A_291 : i32
      %mul3A_293 = arith.constant 16 : i32
      %mul3A_294 = arith.muli %add3A_292, %mul3A_293 : i32
      %swap3A_295 = arith.index_cast %mul3A_294 : i32 to index
      %swap3A_296 = tpu.vector_load %arg7[%swap3A_295] {strides = array<i32>} : memref<5760xi32, #tpu.memory_space<vmem>>, vector<16xi32>,
      tpu.vector_store %arg7[%swap3A_295], %add3A_288 {strides = array<i32>} : memref<5760xi32, #tpu.memory_space<vmem>>, vector<16xi32>,
      %add3A_297 = arith.addi %mul3A_216, %sub3A_121 : vector<16xi32>
      %mul3A_298 = arith.constant 15 : i32
      %mul3A_299 = arith.muli %scan3A_206, %mul3A_298 : i32
      %add3A_300 = arith.constant 9 : i32
      %add3A_301 = arith.addi %mul3A_299, %add3A_300 : i32
      %mul3A_302 = arith.constant 16 : i32
      %mul3A_303 = arith.muli %add3A_301, %mul3A_302 : i32
      %swap3A_304 = arith.index_cast %mul3A_303 : i32 to index
      %swap3A_305 = tpu.vector_load %arg7[%swap3A_304] {strides = array<i32>} : memref<5760xi32, #tpu.memory_space<vmem>>, vector<16xi32>,
      tpu.vector_store %arg7[%swap3A_304], %add3A_297 {strides = array<i32>} : memref<5760xi32, #tpu.memory_space<vmem>>, vector<16xi32>,
      %add3A_306 = arith.addi %mul3A_216, %sub3A_130 : vector<16xi32>
      %mul3A_307 = arith.constant 15 : i32
      %mul3A_308 = arith.muli %scan3A_206, %mul3A_307 : i32
      %add3A_309 = arith.constant 10 : i32
      %add3A_310 = arith.addi %mul3A_308, %add3A_309 : i32
      %mul3A_311 = arith.constant 16 : i32
      %mul3A_312 = arith.muli %add3A_310, %mul3A_311 : i32
      %swap3A_313 = arith.index_cast %mul3A_312 : i32 to index
      %swap3A_314 = tpu.vector_load %arg7[%swap3A_313] {strides = array<i32>} : memref<5760xi32, #tpu.memory_space<vmem>>, vector<16xi32>,
      tpu.vector_store %arg7[%swap3A_313], %add3A_306 {strides = array<i32>} : memref<5760xi32, #tpu.memory_space<vmem>>, vector<16xi32>,
      %add3A_315 = arith.addi %mul3A_216, %sub3A_139 : vector<16xi32>
      %mul3A_316 = arith.constant 15 : i32
      %mul3A_317 = arith.muli %scan3A_206, %mul3A_316 : i32
      %add3A_318 = arith.constant 11 : i32
      %add3A_319 = arith.addi %mul3A_317, %add3A_318 : i32
      %mul3A_320 = arith.constant 16 : i32
      %mul3A_321 = arith.muli %add3A_319, %mul3A_320 : i32
      %swap3A_322 = arith.index_cast %mul3A_321 : i32 to index
      %swap3A_323 = tpu.vector_load %arg7[%swap3A_322] {strides = array<i32>} : memref<5760xi32, #tpu.memory_space<vmem>>, vector<16xi32>,
      tpu.vector_store %arg7[%swap3A_322], %add3A_315 {strides = array<i32>} : memref<5760xi32, #tpu.memory_space<vmem>>, vector<16xi32>,
      %add3A_324 = arith.addi %mul3A_216, %sub3A_148 : vector<16xi32>
      %mul3A_325 = arith.constant 15 : i32
      %mul3A_326 = arith.muli %scan3A_206, %mul3A_325 : i32
      %add3A_327 = arith.constant 12 : i32
      %add3A_328 = arith.addi %mul3A_326, %add3A_327 : i32
      %mul3A_329 = arith.constant 16 : i32
      %mul3A_330 = arith.muli %add3A_328, %mul3A_329 : i32
      %swap3A_331 = arith.index_cast %mul3A_330 : i32 to index
      %swap3A_332 = tpu.vector_load %arg7[%swap3A_331] {strides = array<i32>} : memref<5760xi32, #tpu.memory_space<vmem>>, vector<16xi32>,
      tpu.vector_store %arg7[%swap3A_331], %add3A_324 {strides = array<i32>} : memref<5760xi32, #tpu.memory_space<vmem>>, vector<16xi32>,
      %add3A_333 = arith.addi %mul3A_216, %sub3A_157 : vector<16xi32>
      %mul3A_334 = arith.constant 15 : i32
      %mul3A_335 = arith.muli %scan3A_206, %mul3A_334 : i32
      %add3A_336 = arith.constant 13 : i32
      %add3A_337 = arith.addi %mul3A_335, %add3A_336 : i32
      %mul3A_338 = arith.constant 16 : i32
      %mul3A_339 = arith.muli %add3A_337, %mul3A_338 : i32
      %swap3A_340 = arith.index_cast %mul3A_339 : i32 to index
      %swap3A_341 = tpu.vector_load %arg7[%swap3A_340] {strides = array<i32>} : memref<5760xi32, #tpu.memory_space<vmem>>, vector<16xi32>,
      tpu.vector_store %arg7[%swap3A_340], %add3A_333 {strides = array<i32>} : memref<5760xi32, #tpu.memory_space<vmem>>, vector<16xi32>,
      %add3A_342 = arith.addi %mul3A_216, %sub3A_166 : vector<16xi32>
      %mul3A_343 = arith.constant 15 : i32
      %mul3A_344 = arith.muli %scan3A_206, %mul3A_343 : i32
      %add3A_345 = arith.constant 14 : i32
      %add3A_346 = arith.addi %mul3A_344, %add3A_345 : i32
      %mul3A_347 = arith.constant 16 : i32
      %mul3A_348 = arith.muli %add3A_346, %mul3A_347 : i32
      %swap3A_349 = arith.index_cast %mul3A_348 : i32 to index
      %swap3A_350 = tpu.vector_load %arg7[%swap3A_349] {strides = array<i32>} : memref<5760xi32, #tpu.memory_space<vmem>>, vector<16xi32>,
      tpu.vector_store %arg7[%swap3A_349], %add3A_342 {strides = array<i32>} : memref<5760xi32, #tpu.memory_space<vmem>>, vector<16xi32>,
    }
    %scan3A_174 = arith.constant 24 : i32
    %dma_wait3A = arith.constant 0 : i32
    %dma_wait3A_175 = tpu.memref_slice %arg5[%mul3A_27, %dma_wait3A] : memref<6144x128xf32, #tpu.memory_space<vmem_shared>> -> memref<384x128xf32, #tpu.memory_space<vmem_shared>>
    %dma_wait3A_176 = arith.constant 0 : i32
    %dma_wait3A_177 = tpu.memref_slice %arg2[%add3A_25, %dma_wait3A_176] : memref<12288x128xf32, #tpu.memory_space<hbm>> -> memref<384x128xf32, #tpu.memory_space<hbm>>
    tpu.wait_dma2 semaphore(%arg20 : memref<!tpu.dma_semaphore, #tpu.memory_space<semaphore_mem>>) src(%dma_wait3A_177 : memref<384x128xf32, #tpu.memory_space<hbm>>) dst(%dma_wait3A_175 : memref<384x128xf32, #tpu.memory_space<vmem_shared>>)
    %barrier3A = arith.constant 0 : index
    tpu.barrier barrier_id(%barrier3A)
    %dma_start3A_178 = arith.constant 0 : i32
    %dma_start3A_179 = tpu.memref_slice %arg7[%dma_start3A_178] : memref<5760xi32, #tpu.memory_space<vmem>> -> memref<128xi32, #tpu.memory_space<vmem>>
    %dma_start3A_180 = arith.constant 0 : i32
    %dma_start3A_181 = arith.constant 0 : i32
    %dma_start3A_182 = tpu.memref_slice %arg5[%dma_start3A_180, %dma_start3A_181] : memref<6144x128xf32, #tpu.memory_space<vmem_shared>> -> memref<6144x128xf32, #tpu.memory_space<vmem_shared>>
    tpu.enqueue_indirect_dma source(%dma_start3A_182 : memref<6144x128xf32, #tpu.memory_space<vmem_shared>>) target(%arg8 : memref<128x128xf32, #tpu.memory_space<vmem>>) offsets(%dma_start3A_179 : memref<128xi32, #tpu.memory_space<vmem>>) semaphore(%arg12 : memref<!tpu.dma_semaphore, #tpu.memory_space<semaphore_mem>>)
    %dma_start3A_183 = arith.constant 128 : i32
    %dma_start3A_184 = tpu.memref_slice %arg7[%dma_start3A_183] : memref<5760xi32, #tpu.memory_space<vmem>> -> memref<128xi32, #tpu.memory_space<vmem>>
    %dma_start3A_185 = arith.constant 0 : i32
    %dma_start3A_186 = arith.constant 0 : i32
    %dma_start3A_187 = tpu.memref_slice %arg5[%dma_start3A_185, %dma_start3A_186] : memref<6144x128xf32, #tpu.memory_space<vmem_shared>> -> memref<6144x128xf32, #tpu.memory_space<vmem_shared>>
    tpu.enqueue_indirect_dma source(%dma_start3A_187 : memref<6144x128xf32, #tpu.memory_space<vmem_shared>>) target(%arg9 : memref<128x128xf32, #tpu.memory_space<vmem>>) offsets(%dma_start3A_184 : memref<128xi32, #tpu.memory_space<vmem>>) semaphore(%arg13 : memref<!tpu.dma_semaphore, #tpu.memory_space<semaphore_mem>>)
    %scan3A_188 = arith.constant 0 : i32
    %scan3A_189 = arith.constant 0 : i32
    %scan3A_190 = arith.constant 12 : i32
    %scan3A_191 = arith.addi %scan3A_189, %scan3A_190 : i32
    %scan3A_192 = arith.constant 1 : i32
    scf.for %scan3A_206 = %scan3A_189 to %scan3A_191 step %scan3A_192  : i32 {
      %mul3A_207 = arith.constant 4 : i32
      %mul3A_208 = arith.muli %scan3A_206, %mul3A_207 : i32
      %add3A_209 = arith.constant 0 : i32
      %add3A_210 = arith.addi %mul3A_208, %add3A_209 : i32
      %lt3A = arith.constant 45 : i32
      %lt3A_211 = arith.cmpi slt, %add3A_210, %lt3A : i32
      %convert_element_type3A = arith.extui %lt3A_211 : i1 to i32
      %cond3A = arith.constant 0 : i32
      %cond3A_212 = arith.cmpi ne, %convert_element_type3A, %cond3A : i32
      scf.if %cond3A_212 {
        %ge3A = arith.constant 2 : i32
        %ge3A_240 = arith.cmpi sge, %add3A_210, %ge3A : i32
        %convert_element_type3A_241 = arith.extui %ge3A_240 : i1 to i32
        %cond3A_242 = arith.constant 0 : i32
        %cond3A_243 = arith.cmpi ne, %convert_element_type3A_241, %cond3A_242 : i32
        scf.if %cond3A_243 {
          %sub3A_264 = arith.constant 2 : i32
          %sub3A_265 = arith.subi %add3A_210, %sub3A_264 : i32
          %mul3A_266 = arith.constant 128 : i32
          %mul3A_267 = arith.muli %sub3A_265, %mul3A_266 : i32
          %add3A_268 = arith.addi %mul3A_4, %mul3A_267 : i32
          %dma_wait3A_269 = arith.constant 0 : i32
          %dma_wait3A_270 = tpu.memref_slice %arg4[%add3A_268, %dma_wait3A_269] : memref<184320x128xf32, #tpu.memory_space<hbm>> -> memref<128x128xf32, #tpu.memory_space<hbm>>
          %dma_wait3A_271 = arith.constant 0 : i32
          %dma_wait3A_272 = tpu.memref_slice %arg4[%add3A_268, %dma_wait3A_271] : memref<184320x128xf32, #tpu.memory_space<hbm>> -> memref<128x128xf32, #tpu.memory_space<hbm>>
          tpu.wait_dma2 semaphore(%arg18 : memref<!tpu.dma_semaphore, #tpu.memory_space<semaphore_mem>>) src(%arg10 : memref<128x128xf32, #tpu.memory_space<vmem>>) dst(%dma_wait3A_272 : memref<128x128xf32, #tpu.memory_space<hbm>>)
        } else {
        }
        %add3A_244 = arith.constant 2 : i32
        %add3A_245 = arith.addi %add3A_210, %add3A_244 : i32
        %lt3A_246 = arith.constant 45 : i32
        %lt3A_247 = arith.cmpi slt, %add3A_245, %lt3A_246 : i32
        %convert_element_type3A_248 = arith.extui %lt3A_247 : i1 to i32
        %cond3A_249 = arith.constant 0 : i32
        %cond3A_250 = arith.cmpi ne, %convert_element_type3A_248, %cond3A_249 : i32
        scf.if %cond3A_250 {
          %add3A_264 = arith.constant 2 : i32
          %add3A_265 = arith.addi %add3A_210, %add3A_264 : i32
          %mul3A_266 = arith.constant 128 : i32
          %mul3A_267 = arith.muli %add3A_265, %mul3A_266 : i32
          %dma_start3A_268 = tpu.memref_slice %arg7[%mul3A_267] : memref<5760xi32, #tpu.memory_space<vmem>> -> memref<128xi32, #tpu.memory_space<vmem>>
          %dma_start3A_269 = arith.constant 0 : i32
          %dma_start3A_270 = arith.constant 0 : i32
          %dma_start3A_271 = tpu.memref_slice %arg5[%dma_start3A_269, %dma_start3A_270] : memref<6144x128xf32, #tpu.memory_space<vmem_shared>> -> memref<6144x128xf32, #tpu.memory_space<vmem_shared>>
          tpu.enqueue_indirect_dma source(%dma_start3A_271 : memref<6144x128xf32, #tpu.memory_space<vmem_shared>>) target(%arg10 : memref<128x128xf32, #tpu.memory_space<vmem>>) offsets(%dma_start3A_268 : memref<128xi32, #tpu.memory_space<vmem>>) semaphore(%arg14 : memref<!tpu.dma_semaphore, #tpu.memory_space<semaphore_mem>>)
        } else {
        }
        %mul3A_251 = arith.constant 128 : i32
        %mul3A_252 = arith.muli %add3A_210, %mul3A_251 : i32
        %dma_wait3A_253 = tpu.memref_slice %arg7[%mul3A_252] : memref<5760xi32, #tpu.memory_space<vmem>> -> memref<128xi32, #tpu.memory_space<vmem>>
        %dma_wait3A_254 = arith.constant 0 : i32
        %dma_wait3A_255 = arith.constant 0 : i32
        %dma_wait3A_256 = tpu.memref_slice %arg5[%dma_wait3A_254, %dma_wait3A_255] : memref<6144x128xf32, #tpu.memory_space<vmem_shared>> -> memref<6144x128xf32, #tpu.memory_space<vmem_shared>>
        tpu.wait_indirect_dma semaphore(%arg12 : memref<!tpu.dma_semaphore, #tpu.memory_space<semaphore_mem>>) src(%dma_wait3A_256 : memref<6144x128xf32, #tpu.memory_space<vmem_shared>>) dst(%arg8 : memref<128x128xf32, #tpu.memory_space<vmem>>)
        %mul3A_257 = arith.constant 128 : i32
        %mul3A_258 = arith.muli %add3A_210, %mul3A_257 : i32
        %add3A_259 = arith.addi %mul3A_4, %mul3A_258 : i32
        %dma_start3A_260 = arith.constant 0 : i32
        %dma_start3A_261 = tpu.memref_slice %arg4[%add3A_259, %dma_start3A_260] : memref<184320x128xf32, #tpu.memory_space<hbm>> -> memref<128x128xf32, #tpu.memory_space<hbm>>
        %dma_start3A_262 = arith.constant 0 : i32
        %dma_start3A_263 = tpu.memref_slice %arg4[%add3A_259, %dma_start3A_262] : memref<184320x128xf32, #tpu.memory_space<hbm>> -> memref<128x128xf32, #tpu.memory_space<hbm>>
        tpu.enqueue_dma source(%arg8 : memref<128x128xf32, #tpu.memory_space<vmem>>) target(%dma_start3A_263 : memref<128x128xf32, #tpu.memory_space<hbm>>) target_semaphore(%arg16 : memref<!tpu.dma_semaphore, #tpu.memory_space<semaphore_mem>>)
      } else {
      }
      %mul3A_213 = arith.constant 4 : i32
      %mul3A_214 = arith.muli %scan3A_206, %mul3A_213 : i32
      %add3A_215 = arith.constant 1 : i32
      %add3A_216 = arith.addi %mul3A_214, %add3A_215 : i32
      %lt3A_217 = arith.constant 45 : i32
      %lt3A_218 = arith.cmpi slt, %add3A_216, %lt3A_217 : i32
      %convert_element_type3A_219 = arith.extui %lt3A_218 : i1 to i32
      %cond3A_220 = arith.constant 0 : i32
      %cond3A_221 = arith.cmpi ne, %convert_element_type3A_219, %cond3A_220 : i32
      scf.if %cond3A_221 {
        %ge3A = arith.constant 2 : i32
        %ge3A_240 = arith.cmpi sge, %add3A_216, %ge3A : i32
        %convert_element_type3A_241 = arith.extui %ge3A_240 : i1 to i32
        %cond3A_242 = arith.constant 0 : i32
        %cond3A_243 = arith.cmpi ne, %convert_element_type3A_241, %cond3A_242 : i32
        scf.if %cond3A_243 {
          %sub3A_264 = arith.constant 2 : i32
          %sub3A_265 = arith.subi %add3A_216, %sub3A_264 : i32
          %mul3A_266 = arith.constant 128 : i32
          %mul3A_267 = arith.muli %sub3A_265, %mul3A_266 : i32
          %add3A_268 = arith.addi %mul3A_4, %mul3A_267 : i32
          %dma_wait3A_269 = arith.constant 0 : i32
          %dma_wait3A_270 = tpu.memref_slice %arg4[%add3A_268, %dma_wait3A_269] : memref<184320x128xf32, #tpu.memory_space<hbm>> -> memref<128x128xf32, #tpu.memory_space<hbm>>
          %dma_wait3A_271 = arith.constant 0 : i32
          %dma_wait3A_272 = tpu.memref_slice %arg4[%add3A_268, %dma_wait3A_271] : memref<184320x128xf32, #tpu.memory_space<hbm>> -> memref<128x128xf32, #tpu.memory_space<hbm>>
          tpu.wait_dma2 semaphore(%arg19 : memref<!tpu.dma_semaphore, #tpu.memory_space<semaphore_mem>>) src(%arg11 : memref<128x128xf32, #tpu.memory_space<vmem>>) dst(%dma_wait3A_272 : memref<128x128xf32, #tpu.memory_space<hbm>>)
        } else {
        }
        %add3A_244 = arith.constant 2 : i32
        %add3A_245 = arith.addi %add3A_216, %add3A_244 : i32
        %lt3A_246 = arith.constant 45 : i32
        %lt3A_247 = arith.cmpi slt, %add3A_245, %lt3A_246 : i32
        %convert_element_type3A_248 = arith.extui %lt3A_247 : i1 to i32
        %cond3A_249 = arith.constant 0 : i32
        %cond3A_250 = arith.cmpi ne, %convert_element_type3A_248, %cond3A_249 : i32
        scf.if %cond3A_250 {
          %add3A_264 = arith.constant 2 : i32
          %add3A_265 = arith.addi %add3A_216, %add3A_264 : i32
          %mul3A_266 = arith.constant 128 : i32
          %mul3A_267 = arith.muli %add3A_265, %mul3A_266 : i32
          %dma_start3A_268 = tpu.memref_slice %arg7[%mul3A_267] : memref<5760xi32, #tpu.memory_space<vmem>> -> memref<128xi32, #tpu.memory_space<vmem>>
          %dma_start3A_269 = arith.constant 0 : i32
          %dma_start3A_270 = arith.constant 0 : i32
          %dma_start3A_271 = tpu.memref_slice %arg5[%dma_start3A_269, %dma_start3A_270] : memref<6144x128xf32, #tpu.memory_space<vmem_shared>> -> memref<6144x128xf32, #tpu.memory_space<vmem_shared>>
          tpu.enqueue_indirect_dma source(%dma_start3A_271 : memref<6144x128xf32, #tpu.memory_space<vmem_shared>>) target(%arg11 : memref<128x128xf32, #tpu.memory_space<vmem>>) offsets(%dma_start3A_268 : memref<128xi32, #tpu.memory_space<vmem>>) semaphore(%arg15 : memref<!tpu.dma_semaphore, #tpu.memory_space<semaphore_mem>>)
        } else {
        }
        %mul3A_251 = arith.constant 128 : i32
        %mul3A_252 = arith.muli %add3A_216, %mul3A_251 : i32
        %dma_wait3A_253 = tpu.memref_slice %arg7[%mul3A_252] : memref<5760xi32, #tpu.memory_space<vmem>> -> memref<128xi32, #tpu.memory_space<vmem>>
        %dma_wait3A_254 = arith.constant 0 : i32
        %dma_wait3A_255 = arith.constant 0 : i32
        %dma_wait3A_256 = tpu.memref_slice %arg5[%dma_wait3A_254, %dma_wait3A_255] : memref<6144x128xf32, #tpu.memory_space<vmem_shared>> -> memref<6144x128xf32, #tpu.memory_space<vmem_shared>>
        tpu.wait_indirect_dma semaphore(%arg13 : memref<!tpu.dma_semaphore, #tpu.memory_space<semaphore_mem>>) src(%dma_wait3A_256 : memref<6144x128xf32, #tpu.memory_space<vmem_shared>>) dst(%arg9 : memref<128x128xf32, #tpu.memory_space<vmem>>)
        %mul3A_257 = arith.constant 128 : i32
        %mul3A_258 = arith.muli %add3A_216, %mul3A_257 : i32
        %add3A_259 = arith.addi %mul3A_4, %mul3A_258 : i32
        %dma_start3A_260 = arith.constant 0 : i32
        %dma_start3A_261 = tpu.memref_slice %arg4[%add3A_259, %dma_start3A_260] : memref<184320x128xf32, #tpu.memory_space<hbm>> -> memref<128x128xf32, #tpu.memory_space<hbm>>
        %dma_start3A_262 = arith.constant 0 : i32
        %dma_start3A_263 = tpu.memref_slice %arg4[%add3A_259, %dma_start3A_262] : memref<184320x128xf32, #tpu.memory_space<hbm>> -> memref<128x128xf32, #tpu.memory_space<hbm>>
        tpu.enqueue_dma source(%arg9 : memref<128x128xf32, #tpu.memory_space<vmem>>) target(%dma_start3A_263 : memref<128x128xf32, #tpu.memory_space<hbm>>) target_semaphore(%arg17 : memref<!tpu.dma_semaphore, #tpu.memory_space<semaphore_mem>>)
      } else {
      }
      %mul3A_222 = arith.constant 4 : i32
      %mul3A_223 = arith.muli %scan3A_206, %mul3A_222 : i32
      %add3A_224 = arith.constant 2 : i32
      %add3A_225 = arith.addi %mul3A_223, %add3A_224 : i32
      %lt3A_226 = arith.constant 45 : i32
      %lt3A_227 = arith.cmpi slt, %add3A_225, %lt3A_226 : i32
      %convert_element_type3A_228 = arith.extui %lt3A_227 : i1 to i32
      %cond3A_229 = arith.constant 0 : i32
      %cond3A_230 = arith.cmpi ne, %convert_element_type3A_228, %cond3A_229 : i32
      scf.if %cond3A_230 {
        %ge3A = arith.constant 2 : i32
        %ge3A_240 = arith.cmpi sge, %add3A_225, %ge3A : i32
        %convert_element_type3A_241 = arith.extui %ge3A_240 : i1 to i32
        %cond3A_242 = arith.constant 0 : i32
        %cond3A_243 = arith.cmpi ne, %convert_element_type3A_241, %cond3A_242 : i32
        scf.if %cond3A_243 {
          %sub3A_264 = arith.constant 2 : i32
          %sub3A_265 = arith.subi %add3A_225, %sub3A_264 : i32
          %mul3A_266 = arith.constant 128 : i32
          %mul3A_267 = arith.muli %sub3A_265, %mul3A_266 : i32
          %add3A_268 = arith.addi %mul3A_4, %mul3A_267 : i32
          %dma_wait3A_269 = arith.constant 0 : i32
          %dma_wait3A_270 = tpu.memref_slice %arg4[%add3A_268, %dma_wait3A_269] : memref<184320x128xf32, #tpu.memory_space<hbm>> -> memref<128x128xf32, #tpu.memory_space<hbm>>
          %dma_wait3A_271 = arith.constant 0 : i32
          %dma_wait3A_272 = tpu.memref_slice %arg4[%add3A_268, %dma_wait3A_271] : memref<184320x128xf32, #tpu.memory_space<hbm>> -> memref<128x128xf32, #tpu.memory_space<hbm>>
          tpu.wait_dma2 semaphore(%arg16 : memref<!tpu.dma_semaphore, #tpu.memory_space<semaphore_mem>>) src(%arg8 : memref<128x128xf32, #tpu.memory_space<vmem>>) dst(%dma_wait3A_272 : memref<128x128xf32, #tpu.memory_space<hbm>>)
        } else {
        }
        %add3A_244 = arith.constant 2 : i32
        %add3A_245 = arith.addi %add3A_225, %add3A_244 : i32
        %lt3A_246 = arith.constant 45 : i32
        %lt3A_247 = arith.cmpi slt, %add3A_245, %lt3A_246 : i32
        %convert_element_type3A_248 = arith.extui %lt3A_247 : i1 to i32
        %cond3A_249 = arith.constant 0 : i32
        %cond3A_250 = arith.cmpi ne, %convert_element_type3A_248, %cond3A_249 : i32
        scf.if %cond3A_250 {
          %add3A_264 = arith.constant 2 : i32
          %add3A_265 = arith.addi %add3A_225, %add3A_264 : i32
          %mul3A_266 = arith.constant 128 : i32
          %mul3A_267 = arith.muli %add3A_265, %mul3A_266 : i32
          %dma_start3A_268 = tpu.memref_slice %arg7[%mul3A_267] : memref<5760xi32, #tpu.memory_space<vmem>> -> memref<128xi32, #tpu.memory_space<vmem>>
          %dma_start3A_269 = arith.constant 0 : i32
          %dma_start3A_270 = arith.constant 0 : i32
          %dma_start3A_271 = tpu.memref_slice %arg5[%dma_start3A_269, %dma_start3A_270] : memref<6144x128xf32, #tpu.memory_space<vmem_shared>> -> memref<6144x128xf32, #tpu.memory_space<vmem_shared>>
          tpu.enqueue_indirect_dma source(%dma_start3A_271 : memref<6144x128xf32, #tpu.memory_space<vmem_shared>>) target(%arg8 : memref<128x128xf32, #tpu.memory_space<vmem>>) offsets(%dma_start3A_268 : memref<128xi32, #tpu.memory_space<vmem>>) semaphore(%arg12 : memref<!tpu.dma_semaphore, #tpu.memory_space<semaphore_mem>>)
        } else {
        }
        %mul3A_251 = arith.constant 128 : i32
        %mul3A_252 = arith.muli %add3A_225, %mul3A_251 : i32
        %dma_wait3A_253 = tpu.memref_slice %arg7[%mul3A_252] : memref<5760xi32, #tpu.memory_space<vmem>> -> memref<128xi32, #tpu.memory_space<vmem>>
        %dma_wait3A_254 = arith.constant 0 : i32
        %dma_wait3A_255 = arith.constant 0 : i32
        %dma_wait3A_256 = tpu.memref_slice %arg5[%dma_wait3A_254, %dma_wait3A_255] : memref<6144x128xf32, #tpu.memory_space<vmem_shared>> -> memref<6144x128xf32, #tpu.memory_space<vmem_shared>>
        tpu.wait_indirect_dma semaphore(%arg14 : memref<!tpu.dma_semaphore, #tpu.memory_space<semaphore_mem>>) src(%dma_wait3A_256 : memref<6144x128xf32, #tpu.memory_space<vmem_shared>>) dst(%arg10 : memref<128x128xf32, #tpu.memory_space<vmem>>)
        %mul3A_257 = arith.constant 128 : i32
        %mul3A_258 = arith.muli %add3A_225, %mul3A_257 : i32
        %add3A_259 = arith.addi %mul3A_4, %mul3A_258 : i32
        %dma_start3A_260 = arith.constant 0 : i32
        %dma_start3A_261 = tpu.memref_slice %arg4[%add3A_259, %dma_start3A_260] : memref<184320x128xf32, #tpu.memory_space<hbm>> -> memref<128x128xf32, #tpu.memory_space<hbm>>
        %dma_start3A_262 = arith.constant 0 : i32
        %dma_start3A_263 = tpu.memref_slice %arg4[%add3A_259, %dma_start3A_262] : memref<184320x128xf32, #tpu.memory_space<hbm>> -> memref<128x128xf32, #tpu.memory_space<hbm>>
        tpu.enqueue_dma source(%arg10 : memref<128x128xf32, #tpu.memory_space<vmem>>) target(%dma_start3A_263 : memref<128x128xf32, #tpu.memory_space<hbm>>) target_semaphore(%arg18 : memref<!tpu.dma_semaphore, #tpu.memory_space<semaphore_mem>>)
      } else {
      }
      %mul3A_231 = arith.constant 4 : i32
      %mul3A_232 = arith.muli %scan3A_206, %mul3A_231 : i32
      %add3A_233 = arith.constant 3 : i32
      %add3A_234 = arith.addi %mul3A_232, %add3A_233 : i32
      %lt3A_235 = arith.constant 45 : i32
      %lt3A_236 = arith.cmpi slt, %add3A_234, %lt3A_235 : i32
      %convert_element_type3A_237 = arith.extui %lt3A_236 : i1 to i32
      %cond3A_238 = arith.constant 0 : i32
      %cond3A_239 = arith.cmpi ne, %convert_element_type3A_237, %cond3A_238 : i32
      scf.if %cond3A_239 {
        %ge3A = arith.constant 2 : i32
        %ge3A_240 = arith.cmpi sge, %add3A_234, %ge3A : i32
        %convert_element_type3A_241 = arith.extui %ge3A_240 : i1 to i32
        %cond3A_242 = arith.constant 0 : i32
        %cond3A_243 = arith.cmpi ne, %convert_element_type3A_241, %cond3A_242 : i32
        scf.if %cond3A_243 {
          %sub3A_264 = arith.constant 2 : i32
          %sub3A_265 = arith.subi %add3A_234, %sub3A_264 : i32
          %mul3A_266 = arith.constant 128 : i32
          %mul3A_267 = arith.muli %sub3A_265, %mul3A_266 : i32
          %add3A_268 = arith.addi %mul3A_4, %mul3A_267 : i32
          %dma_wait3A_269 = arith.constant 0 : i32
          %dma_wait3A_270 = tpu.memref_slice %arg4[%add3A_268, %dma_wait3A_269] : memref<184320x128xf32, #tpu.memory_space<hbm>> -> memref<128x128xf32, #tpu.memory_space<hbm>>
          %dma_wait3A_271 = arith.constant 0 : i32
          %dma_wait3A_272 = tpu.memref_slice %arg4[%add3A_268, %dma_wait3A_271] : memref<184320x128xf32, #tpu.memory_space<hbm>> -> memref<128x128xf32, #tpu.memory_space<hbm>>
          tpu.wait_dma2 semaphore(%arg17 : memref<!tpu.dma_semaphore, #tpu.memory_space<semaphore_mem>>) src(%arg9 : memref<128x128xf32, #tpu.memory_space<vmem>>) dst(%dma_wait3A_272 : memref<128x128xf32, #tpu.memory_space<hbm>>)
        } else {
        }
        %add3A_244 = arith.constant 2 : i32
        %add3A_245 = arith.addi %add3A_234, %add3A_244 : i32
        %lt3A_246 = arith.constant 45 : i32
        %lt3A_247 = arith.cmpi slt, %add3A_245, %lt3A_246 : i32
        %convert_element_type3A_248 = arith.extui %lt3A_247 : i1 to i32
        %cond3A_249 = arith.constant 0 : i32
        %cond3A_250 = arith.cmpi ne, %convert_element_type3A_248, %cond3A_249 : i32
        scf.if %cond3A_250 {
          %add3A_264 = arith.constant 2 : i32
          %add3A_265 = arith.addi %add3A_234, %add3A_264 : i32
          %mul3A_266 = arith.constant 128 : i32
          %mul3A_267 = arith.muli %add3A_265, %mul3A_266 : i32
          %dma_start3A_268 = tpu.memref_slice %arg7[%mul3A_267] : memref<5760xi32, #tpu.memory_space<vmem>> -> memref<128xi32, #tpu.memory_space<vmem>>
          %dma_start3A_269 = arith.constant 0 : i32
          %dma_start3A_270 = arith.constant 0 : i32
          %dma_start3A_271 = tpu.memref_slice %arg5[%dma_start3A_269, %dma_start3A_270] : memref<6144x128xf32, #tpu.memory_space<vmem_shared>> -> memref<6144x128xf32, #tpu.memory_space<vmem_shared>>
          tpu.enqueue_indirect_dma source(%dma_start3A_271 : memref<6144x128xf32, #tpu.memory_space<vmem_shared>>) target(%arg9 : memref<128x128xf32, #tpu.memory_space<vmem>>) offsets(%dma_start3A_268 : memref<128xi32, #tpu.memory_space<vmem>>) semaphore(%arg13 : memref<!tpu.dma_semaphore, #tpu.memory_space<semaphore_mem>>)
        } else {
        }
        %mul3A_251 = arith.constant 128 : i32
        %mul3A_252 = arith.muli %add3A_234, %mul3A_251 : i32
        %dma_wait3A_253 = tpu.memref_slice %arg7[%mul3A_252] : memref<5760xi32, #tpu.memory_space<vmem>> -> memref<128xi32, #tpu.memory_space<vmem>>
        %dma_wait3A_254 = arith.constant 0 : i32
        %dma_wait3A_255 = arith.constant 0 : i32
        %dma_wait3A_256 = tpu.memref_slice %arg5[%dma_wait3A_254, %dma_wait3A_255] : memref<6144x128xf32, #tpu.memory_space<vmem_shared>> -> memref<6144x128xf32, #tpu.memory_space<vmem_shared>>
        tpu.wait_indirect_dma semaphore(%arg15 : memref<!tpu.dma_semaphore, #tpu.memory_space<semaphore_mem>>) src(%dma_wait3A_256 : memref<6144x128xf32, #tpu.memory_space<vmem_shared>>) dst(%arg11 : memref<128x128xf32, #tpu.memory_space<vmem>>)
        %mul3A_257 = arith.constant 128 : i32
        %mul3A_258 = arith.muli %add3A_234, %mul3A_257 : i32
        %add3A_259 = arith.addi %mul3A_4, %mul3A_258 : i32
        %dma_start3A_260 = arith.constant 0 : i32
        %dma_start3A_261 = tpu.memref_slice %arg4[%add3A_259, %dma_start3A_260] : memref<184320x128xf32, #tpu.memory_space<hbm>> -> memref<128x128xf32, #tpu.memory_space<hbm>>
        %dma_start3A_262 = arith.constant 0 : i32
        %dma_start3A_263 = tpu.memref_slice %arg4[%add3A_259, %dma_start3A_262] : memref<184320x128xf32, #tpu.memory_space<hbm>> -> memref<128x128xf32, #tpu.memory_space<hbm>>
        tpu.enqueue_dma source(%arg11 : memref<128x128xf32, #tpu.memory_space<vmem>>) target(%dma_start3A_263 : memref<128x128xf32, #tpu.memory_space<hbm>>) target_semaphore(%arg19 : memref<!tpu.dma_semaphore, #tpu.memory_space<semaphore_mem>>)
      } else {
      }
    }
    %scan3A_193 = arith.constant 12 : i32
    %add3A_194 = arith.constant 5504 : i32
    %add3A_195 = arith.addi %mul3A_4, %add3A_194 : i32
    %dma_wait3A_196 = arith.constant 0 : i32
    %dma_wait3A_197 = tpu.memref_slice %arg4[%add3A_195, %dma_wait3A_196] : memref<184320x128xf32, #tpu.memory_space<hbm>> -> memref<128x128xf32, #tpu.memory_space<hbm>>
    %dma_wait3A_198 = arith.constant 0 : i32
    %dma_wait3A_199 = tpu.memref_slice %arg4[%add3A_195, %dma_wait3A_198] : memref<184320x128xf32, #tpu.memory_space<hbm>> -> memref<128x128xf32, #tpu.memory_space<hbm>>
    tpu.wait_dma2 semaphore(%arg19 : memref<!tpu.dma_semaphore, #tpu.memory_space<semaphore_mem>>) src(%arg11 : memref<128x128xf32, #tpu.memory_space<vmem>>) dst(%dma_wait3A_199 : memref<128x128xf32, #tpu.memory_space<hbm>>)
    %add3A_200 = arith.constant 5632 : i32
    %add3A_201 = arith.addi %mul3A_4, %add3A_200 : i32
    %dma_wait3A_202 = arith.constant 0 : i32
    %dma_wait3A_203 = tpu.memref_slice %arg4[%add3A_201, %dma_wait3A_202] : memref<184320x128xf32, #tpu.memory_space<hbm>> -> memref<128x128xf32, #tpu.memory_space<hbm>>
    %dma_wait3A_204 = arith.constant 0 : i32
    %dma_wait3A_205 = tpu.memref_slice %arg4[%add3A_201, %dma_wait3A_204] : memref<184320x128xf32, #tpu.memory_space<hbm>> -> memref<128x128xf32, #tpu.memory_space<hbm>>
    tpu.wait_dma2 semaphore(%arg16 : memref<!tpu.dma_semaphore, #tpu.memory_space<semaphore_mem>>) src(%arg8 : memref<128x128xf32, #tpu.memory_space<vmem>>) dst(%dma_wait3A_205 : memref<128x128xf32, #tpu.memory_space<hbm>>)
    return
  }
}

</mosaic_0001>

<sc_bundles>
// kernel: kernel.3.cloned.1.call-start
scs
__scs_entry_jumppad:
0x0: {  	(pc) =	sbr.rel $0x88, $3  }
0x1: {  	(tag) =	ssettag $0x0;
	lr =	simm.s32 $0x1  }
0x2: {  	[smem:$0x3F9F] =	sst lr;
	_ =	strace $0xD0000000  }
0x3: {  	_ = 	snop  }
0x4: {  	_ = 	snop  }
0x5: {  	_ = 	snop  }
0x6: {  	_ = 	snop  }
0x7: {  	_ = 	snop  }
__scs_overlays_trampoline_lowered:
0x8: {  	[smem:$0x3FAE] =	sst s0  }
0x9: {  	[smem:$0x3FAF] =	sst s1  }
0xa: {  	[smem:$0x3FB0] =	sst s2  }
0xb: {  	[smem:$0x3FB1] =	sst s3  }
0xc: {  	[smem:$0x3FB2] =	sst s4  }
0xd: {  	[smem:$0x3FB3] =	sst s5  }
0xe: {  	[smem:$0x3FB4] =	sst s6  }
0xf: {  	[smem:$0x3FB5] =	sst s7  }
0x10: {  	[smem:$0x3FB6] =	sst s8  }
0x11: {  	[smem:$0x3FB7] =	sst s9;
	s0 =	simm.s32 @!p0 $0x0  }
0x12: {  	s1 =	sld [smem:$0x3F9D];
	s0 =	simm.s32 @p0 $0x1  }
0x13: {  	[smem:$0x3FB8] =	sst s0;
	s0 =	simm.s32 @!p1 $0x0  }
0x14: {  	s2 =	sld [smem:$0x3F9C];
	s0 =	simm.s32 @p1 $0x1  }
0x15: {  	[smem:$0x3FB9] =	sst s0;
	s0 =	simm.s32 @!p2 $0x0  }
0x16: {  	s3 =	sld [smem:$0x3FDB];
	s0 =	simm.s32 @p2 $0x1  }
0x17: {  	s4 =	simm.s32 $0x1BF5;
	[smem:$0x3FBB] =	sst s0  }
0x18: {  	s0 =	sld [smem:$0x3F9E];
	_ =	swait.ge [sflag:s4], $0x0  }
0x19: {  	s7 =	sld [smem:$0x3F9F]  }
0x1a: {  	s8 =	sadd.s32 $0xFFFFE003, lr  }
0x1b: {  	s9 =	sadd.s32 $0xFFFFFEF7, lr;
	s5 =	simm.s32 $0xFFFFFFFF;
	p2 =	slt.u32 s8, $0xFFFFF086  }
0x1c: {  	p1 =	slt.u32 s9, $0xF7A;
	s5 =	simm.s32 @!p2 $0x0  }
0x1d: {  	s5 =	simm.s32 @p1 $0x1;
	p0 =	seq.s32 s7, s2  }
0x1e: {  	s7 =	smul.u32 @!p0 $0xF7A, s2;
	p2 =	seq.s32 @!p0 s5, $0x0  }
0x1f: {  	s9 =	smul.u32 $0xF7A, s1;
	s8 =	simm.s32 @!p0 $0x1BF5;
	p2 =	por !p2, p0  }
0x20: {  	[sflag:s8] =	ssyncset.s32 @!p0 $0xFFFFF086;
	s6 =	sadd.s32 @!p0 s3, s7;
	s7 =	simm.s32 @!p0 $0x108  }
0x21: {  	s3 =	sadd.s32 s3, s9;
	s6 =	sadd.s32 @!p0 $0x88, s6;
	s7 =	simm.s32 @p2 $0x1082  }
0x22: {  	[simem:s7], [sflag:s8] =	dma.local @!p0 [hbm:s6], $0xF7A  }
0x23: {  	s9 =	sor.u32 $0xD0000000, s2;
	s6 =	simm.s32 $0x108;
	_ =	swait.ge @!p0 [sflag:s8], $0x0  }
0x24: {  	s3 =	sadd.s32 $0x88, s3;
	s6 =	simm.s32 @!p1 $0x1082;
	[sflag:s4] =	ssyncset.s32 $0xFFFFF086  }
0x25: {  	[simem:s6], [sflag:s4] =	dma.local [hbm:s3], $0xF7A  }
0x26: {  	[smem:$0x3F9F] =	sst s1;
	(tag) =	ssettag s2;
	_ =	strace s9  }
0x27: {  	s1 =	sld [smem:$0x3FAF]  }
0x28: {  	s2 =	sld [smem:$0x3FB0]  }
0x29: {  	s4 =	sld [smem:$0x3FB2]  }
0x2a: {  	p0 =	seq.s32 s5, $0x0;
	s5 =	sld [smem:$0x3FB3]  }
0x2b: {  	s6 =	sld [smem:$0x3FB4]  }
0x2c: {  	s7 =	sld [smem:$0x3FB5]  }
0x2d: {  	s3 =	simm.s32 $0x108;
	s8 =	sld [smem:$0x3FB6]  }
0x2e: {  	s3 =	simm.s32 @!p0 $0x1082;
	s9 =	sld [smem:$0x3FB7]  }
0x2f: {  	lr =	sadd.s32 s0, s3;
	s0 =	sld [smem:$0x3FAE]  }
0x30: {  	s3 =	sld [smem:$0x3FB1]  }
0x31: {  	[smem:$0x3FBA] =	sst s10  }
0x32: {  	s10 =	sld [smem:$0x3FB8];
	_ =	sdelay $0x3  }
0x33: {  	p0 =	seq.s32 s10, $0x1;
	s10 =	sld [smem:$0x3FBA];
	_ =	sdelay $0x3  }
0x34: {  	[smem:$0x3FBA] =	sst s10  }
0x35: {  	s10 =	sld [smem:$0x3FB9];
	_ =	sdelay $0x3  }
0x36: {  	p1 =	seq.s32 s10, $0x1;
	s10 =	sld [smem:$0x3FBA];
	_ =	sdelay $0x3  }
0x37: {  	[smem:$0x3FBA] =	sst s10  }
0x38: {  	s10 =	sld [smem:$0x3FBB]  }
0x39: {  	_ = 	snop;
	(pc) =	sbr.ind lr, $3  }
0x3a: {  	_ = 	snop  }
0x3b: {  	_ = 	snop  }
0x3c: {  	p2 =	seq.s32 s10, $0x1;
	s10 =	sld [smem:$0x3FBA]  }
0x3d: {  	_ =	shalt  }
0x3e: {  	_ =	shalt  }
0x3f: {  	_ =	shalt  }
0x40: {  	_ =	shalt  }
0x41: {  	_ =	shalt  }
0x42: {  	_ =	shalt  }
0x43: {  	_ =	shalt  }
0x44: {  	_ =	shalt  }
0x45: {  	_ =	shalt  }
0x46: {  	_ =	shalt  }
0x47: {  	_ =	shalt  }
0x48: {  	_ =	shalt  }
0x49: {  	_ =	shalt  }
0x4a: {  	_ =	shalt  }
0x4b: {  	_ =	shalt  }
0x4c: {  	_ =	shalt  }
0x4d: {  	_ =	shalt  }
0x4e: {  	_ =	shalt  }
0x4f: {  	_ =	shalt  }
0x50: {  	_ =	shalt  }
0x51: {  	_ =	shalt  }
0x52: {  	_ =	shalt  }
0x53: {  	_ =	shalt  }
0x54: {  	_ =	shalt  }
0x55: {  	_ =	shalt  }
0x56: {  	_ =	shalt  }
0x57: {  	_ =	shalt  }
0x58: {  	_ =	shalt  }
0x59: {  	_ =	shalt  }
0x5a: {  	_ =	shalt  }
0x5b: {  	_ =	shalt  }
0x5c: {  	_ =	shalt  }
0x5d: {  	_ =	shalt  }
0x5e: {  	_ =	shalt  }
0x5f: {  	_ =	shalt  }
0x60: {  	_ =	shalt  }
0x61: {  	_ =	shalt  }
0x62: {  	_ =	shalt  }
0x63: {  	_ =	shalt  }
0x64: {  	_ =	shalt  }
0x65: {  	_ =	shalt  }
0x66: {  	_ =	shalt  }
0x67: {  	_ =	shalt  }
0x68: {  	_ =	shalt  }
0x69: {  	_ =	shalt  }
0x6a: {  	_ =	shalt  }
0x6b: {  	_ =	shalt  }
0x6c: {  	_ =	shalt  }
0x6d: {  	_ =	shalt  }
0x6e: {  	_ =	shalt  }
0x6f: {  	_ =	shalt  }
0x70: {  	_ =	shalt  }
0x71: {  	_ =	shalt  }
0x72: {  	_ =	shalt  }
0x73: {  	_ =	shalt  }
0x74: {  	_ =	shalt  }
0x75: {  	_ =	shalt  }
0x76: {  	_ =	shalt  }
0x77: {  	_ =	shalt  }
0x78: {  	_ =	shalt  }
0x79: {  	_ =	shalt  }
0x7a: {  	_ =	shalt  }
0x7b: {  	_ =	shalt  }
0x7c: {  	_ =	shalt  }
0x7d: {  	_ =	shalt  }
0x7e: {  	_ =	shalt  }
0x7f: {  	_ =	shalt  }
0x80: {  	_ =	shalt  }
0x81: {  	_ =	shalt  }
0x82: {  	_ =	shalt  }
0x83: {  	_ =	shalt  }
0x84: {  	_ =	shalt  }
0x85: {  	_ =	shalt  }
0x86: {  	_ =	shalt  }
0x87: {  	_ =	shalt  }
.Lfunc_end0:
.L_simem_size_0:
called_computation_lowered:
.L_overlay_start_0:
0x88: {  	s2 =	sld [smem:$0x3FD9]  }
0x89: {  	s3 =	sld [smem:$0x3FFE];
	_ =	sdelay $0x1  }
0x8a: {  	s1 =	srdreg.scid  }
0x8b: {  	s0 =	sand.u32 $0x1, s1  }
0x8c: {  	s17 =	sshll.u32 s0, $0xA;
	s2 =	sadd.s32 s3, s2  }
0x8d: {  	s2 =	sadd.s32 s2, s17  }
0x8e: {  	[smem:$0x3FC6] =	sst s2  }
0x8f: {  	_ = 	snop  }
0x90: {  	s2 =	sld [smem:$0x3FC9]  }
0x91: {  	s18 =	sld [smem:$0x3FD0];
	(tm) =	ssettm $0x1  }
0x92: {  	s4 =	sld [smem:$0x3FFB];
	_ =	sdelay $0x3  }
0x93: {  	_ =	strace s4  }
0x94: {  	s4 =	sld [smem:$0x3FFC];
	_ =	sdelay $0x3  }
0x95: {  	_ =	strace s4  }
0x96: {  	s4 =	sld [smem:$0x3FFD];
	_ =	sdelay $0x3  }
0x97: {  	_ =	strace s4  }
0x98: {  	_ =	strace $0x8FFFFFFF  }
0x99: {  	s19 =	sld [smem:$0x3FDB];
	_ =	sdelay $0x1  }
0x9a: {  	s5 =	simm.s32 $_scs_section_size  }
0x9b: {  	s6 =	simm.s32 $_size__tile_overlayer_lowered;
	s7 =	simm.s32 $_tile_overlayer_lowered  }
0x9c: {  	s22 =	simm.s32 $0x1BFF;
	s21 =	sshll.u32 s7, $0x1;
	s4 =	sadd.s32 s5, s19  }
0x9d: {  	s8 =	simm.s32 $0x0;
	s20 =	sshll.u32 s6, $0x1;
	s6 =	sadd.s32 s21, s4  }
0x9e: {  	[timem:s8], [sflag:s22] =	dma.local [hbm:s6], s20  }
0x9f: {  	_ =	swait.ge [sflag:s22], s20  }
0xa0: {  	s5 =	ssub.s32 $0x0, s20;
	[sflag:s22] =	ssyncset.done $0x0  }
0xa1: {  	[sflag:s22] =	ssyncadd.s32 s5;
	_ =	sdelay $0x1  }
0xa2: {  	s23 =	simm.s32 $0x1B8B  }
0xa3: {  	_ =	swait.ge [sflag:s23], $0x1  }
0xa4: {  	[sflag:s23] =	ssyncset.done $0x0  }
0xa5: {  	s25 =	simm.s32 $0x1B8E;
	s24 =	sld [smem:$0x3FFE];
	[sflag:s23] =	ssyncadd.s32 $0xFFFFFFFF  }
0xa6: {  	s26 =	simm.s32 $execute0_lowered;
	[smem:$0x3FD2] =	sst s25  }
0xa7: {  	s6 =	sshll.u32 s26, $0x1;
	_ =	strace $0x80000046;
	[dreg:$0x1] =	wrdreg $0xFFFFFFFF  }
0xa8: {  	s28 =	simm.s32 $_size_execute0_lowered;
	s4 =	sadd.s32 s4, s6;
	[dreg:$0x0] =	wrdreg $0x0  }
0xa9: {  	s6 =	sshll.u32 s28, $0x1;
	[dreg:$0x2] =	wrdreg s4  }
0xaa: {  	[dreg:$0x3] =	wrdreg s6  }
0xab: {  	[dreg:$0x4] =	wrdreg $0xC0  }
0xac: {  	_ =	task [dreg:s8], $0x5FFFF  }
0xad: {  	[dreg:$0x1] =	wrdreg $0xFFFFFFFF  }
0xae: {  	[dreg:$0x0] =	wrdreg $0x60  }
0xaf: {  	[dreg:$0x2] =	wrdreg s2  }
0xb0: {  	[dreg:$0x3] =	wrdreg s24  }
0xb1: {  	[dreg:$0x4] =	wrdreg s18  }
0xb2: {  	[dreg:$0x5] =	wrdreg $0x0  }
0xb3: {  	[dreg:$0x6] =	wrdreg $0x9  }
0xb4: {  	_ =	task.clear_ibuf [dreg:s8], $0x7FFFF;
	_ =	strace $0x90000046  }
0xb5: {  	s29 =	simm.s32 $0x9;
	_ =	strace $0x80000048  }
0xb6: {  	_ =	swait.ge [sflag:s29], $0x1  }
0xb7: {  	[sflag:s29] =	ssyncadd.s32 $0xFFFFFFFF  }
0xb8: {  	_ =	strace $0x90000048  }
0xb9: {  	_ =	sfence  }
0xba: {  	s30 =	sld [smem:$0x0];
	_ =	sdelay $0x2  }
0xbb: {  	s31 =	sshll.u32 s1, $0xD;
	s1 =	sshrl.u32 s1, $0x2  }
0xbc: {  	s3 =	sand.u32 $0x4000, s31;
	s1 =	sadd.s32 s1, s30  }
0xbd: {  	s0 =	sor.u32 s3, s0;
	s1 =	sshll.u32 s1, $0x11  }
0xbe: {  	s0 =	sor.u32 s1, s0  }
0xbf: {  	s0 =	sadd.s32 $0x8F2B, s0  }
0xc0: {  	[sflag:s0] =	ssyncadd.remote.s32 $0x1  }
0xc1: {  	_ =	sfence.sel $0xFFFF  }
0xc2: {  	[dreg:$0x0] =	wrdreg $0xFFFFFFFF;
	(pc) =	sbr.abs _section_cstart, $3  }
0xc3: {  	[dreg:$0x1] =	wrdreg $0xFFFFFFFF  }
0xc4: {  	_ =	task.clear_ibuf [dreg:s8], $0x2FFFF;
	_ =	strace $0x9FFFFFFF  }
0xc5: {  	(tm) =	ssettm $0x7FFFFFFF  }
tec
execute0_lowered:
.L_overlay_start_1:
0x0: {  	(tag) =	ssettag $0x1  }
0x1: {  	s0 =	srdreg.scid;
	s1 =	rddreg [dreg:$0x0]  }
0x2: {  	s5 =	rddreg [dreg:$0x1];
	s15 =	stileid.u32  }
0x3: {  	s2 =	rddreg [dreg:$0x2];
	s4 =	simm.s32 $0x0;
	s16 =	simm.s32 $0x80  }
0x4: {  	v0 =	vimm.s32 $0x0;
	vm0 =	vcmask $0x300;
	s18 =	simm.s32 $0xD800;
	s21 =	simm.s32 $0x15800;
	s7 =	smul.u32 $0x30000, s15  }
0x5: {  	v1 =	vimm.s32 $0x1;
	vm4 =	vcmask $0x700;
	v2 =	vimm.s32 $0x2;
	s22 =	simm.s32 $0x1;
	s23 =	simm.s32 $0x8;
	s12 =	smul.u32 $0x1800, s15  }
0x6: {  	vm5 =	vcmask $0xB00;
	vm6 =	vcmask $0xF00;
	v3 =	vimm.s32 $0x3;
	s0 =	sand.u32 $0x1, s0;
	[smem:$0x7FF] =	sst s4;
	s30 =	smul.u32 $0xB4000, s15  }
0x7: {  	v4 =	vimm.s32 $0x4;
	vm7 =	vcmask $0x1300;
	v5 =	vimm.s32 $0x5;
	s29 =	sshll.u32 s15, $0x6;
	s3 =	sshll.u32 s0, $0x4;
	s10 =	smul.u32 $0x18000, s0  }
0x8: {  	vm8 =	vcmask $0x1700;
	v6 =	vimm.s32 $0x6;
	vm1 =	vcmask $0x1B00;
	s9 =	ssub.s32 $0x2, s0;
	s28 =	sshll.u32 s0, $0x2;
	s0 =	smul.u32 $0xB40000, s0  }
0x9: {  	v7 =	vlaneseq.u32;
	vm9 =	vcmask $0x2300;
	v8 =	vimm.s32 $0x9;
	s8 =	sor.u32 s15, s3;
	s3 =	rddreg [dreg:$0x3];
	_ =	strace $0x80000047  }
0xa: {  	vm10 =	vcmask $0x2700;
	v9 =	vimm.s32 $0xA;
	vm11 =	vcmask $0x2B00;
	s11 =	sshrl.u32 s9, $0x1;
	s24 =	sshrl.u32 s7, $0x2;
	s15 =	simm.s32 $0x9  }
0xb: {  	v10 =	vimm.s32 $0xB;
	vm12 =	vcmask $0x2F00;
	v11 =	vimm.s32 $0xC;
	s6 =	smul.u32 $0x30, s8;
	s9 =	ssub.s32 s9, s11;
	s25 =	sshrl.u32 s8, $0x2  }
0xc: {  	vm13 =	vcmask $0x3300;
	v12 =	vimm.s32 $0xD;
	vm14 =	vcmask $0x3700;
	s14 =	sadd.s32 s24, s3;
	s26 =	sadd.s32 s12, s10;
	s8 =	smul.u32 $0xB4000, s8  }
0xd: {  	v15 =	vimm.s32 $0xE;
	vm15 =	vcmask $0x3B00;
	v0 =	vsel vm0, $0x1, v0;
	s0 =	sadd.s32 s30, s0;
	s24 =	simm.s32 $0x5;
	s9 =	smax.u32 s9, $0x1  }
0xe: {  	v1 =	vsel vm4, $0x2, v1;
	v2 =	vsel vm5, $0x3, v2;
	v3 =	vsel vm6, $0x4, v3;
	s10 =	sshrl.u32 s0, $0x3;
	s31 =	sadd.s32 $0xC000, s0;
	s0 =	sadd.s32 $0x4000, s0  }
.Ltmp0:
0xf: {  	v4 =	vsel vm7, $0x5, v4;
	v5 =	vsel vm8, $0x6, v5;
	v6 =	vsel vm1, $0x7, v6;
	s13 =	sadd.s32 s6, s5;
	s5 =	sadd.s32 s1, s26;
	(pc) =	sbr.rel .LBB2_1-.Ltmp0, $4  }
0x10: {  	v7 =	vshrl.u32 v7, $0x3;
	v8 =	vsel vm10, $0xA, v8;
	v9 =	vsel vm11, $0xB, v9;
	s1 =	ssub.s32 s25, s28;
	s6 =	sor.u32 $0x1C09, s29;
	s10 =	sadd.s32 s10, s2  }
0x11: {  	v10 =	vsel vm12, $0xC, v10;
	v11 =	vsel vm13, $0xD, v11;
	v14 =	vmul.u32 $0xFFFFFFFF, v7;
	s11 =	sshrl.u32 s31, $0x3;
	s0 =	sshrl.u32 s0, $0x3;
	s1 =	smul.u32 $0x60, s1  }
0x12: {  	v12 =	vsel vm14, $0xE, v12;
	v15 =	vsel vm15, $0xF, v15;
	v7 =	vimm.s32 $0x8;
	s25 =	simm.s32 $0x0;
	s7 =	sadd.s32 $0x400, s13;
	s11 =	sadd.s32 s11, s2  }
0x13: {  	v7 =	vsel vm9, $0x9, v7;
	v14 =	vadd.s32 $0x8, v14;
	s12 =	sadd.s32 s0, s2;
	s13 =	sshrl.u32 s14, $0x3;
	s14 =	simm.s32 $0xA;
	v13 =	vmov s1  }
.LBB2_7:
0x14: {  	s25 =	sadd.s32 $0x1, s25  }
0x15: {  	_ =	swait.ge [sflag:s23], $0x4000;
	p0 =	sne.s32 s25, s9  }
.Ltmp1:
0x16: {  	[sflag:s23] =	ssyncset.done $0x0;
	(pc) =	sbr.rel @!p0 .LBB2_8-.Ltmp1, $4  }
0x17: {  	[sflag:s23] =	ssyncadd.s32 $0xFFFFC000  }
0x18: {  	_ =	swait.ge [sflag:s24], $0x4000  }
0x19: {  	[sflag:s24] =	ssyncset.done $0x0  }
0x1a: {  	[sflag:s24] =	ssyncadd.s32 $0xFFFFC000  }
.LBB2_1:
0x1b: {  	[spmem:s13], [sflag:s6] =	dma.local [hbm:s5], $0x1800  }
0x1c: {  	s1 =	simm.s32 $0xC000  }
0x1d: {  	[tilespmem:s1], [sflag:$0xA] =	stream.linear.gather [hbm4b:s7+s4], $0x180, $0x38;
	[tilespmem:$0x1D800] =	vst v63  }
0x1e: {  	_ =	swait.ge [sflag:s14], $0x180  }
0x1f: {  	[sflag:s14] =	ssyncset.done $0x0  }
0x20: {  	[sflag:s14] =	ssyncadd.s32 $0xFFFFFE80  }
0x21: {  	v16 =	vld [tilespmem:s1+$0x0];
	_ =	sdelay $0x4  }
0x22: {  	v16 =	vadd.s32 v13, v16  }
0x23: {  	v16 =	vshll.u32 v16, $0x4  }
0x24: {  	s26 =	simm.s32 $0xC1F0;
	v18 =	vor.u32 v0, v16;
	v20 =	vor.u32 v1, v16;
	v17 =	vor.u32 v7, v16  }
0x25: {  	v19 =	vor.u32 v2, v16;
	v21 =	vor.u32 v14, v16;
	v23 =	vor.u32 v5, v16;
	[tilespmem:s26+$0xFFFFFF90] =	vst v18  }
0x26: {  	s29 =	simm.s32 $0xF0;
	s30 =	simm.s32 $0xC1F0;
	s28 =	simm.s32 $0x0;
	v22 =	vor.u32 v6, v16;
	v18 =	vor.u32 v3, v16;
	[tilespmem:s26+$0xFFFFFFA0] =	vst v20;
	v20 =	vor.u32 v4, v16  }
.LBB2_2:
0x27: {  	p0 =	sne.s32 s29, $0x1590;
	[tilespmem:s26+$0x0] =	vst v21;
	s1 =	sadd.s32 $0x10, s1;
	s30 =	sadd.s32 $0xF0, s30  }
0x28: {  	s0 =	smov.u32 s29;
	s29 =	sadd.s32 $0xF0, s29;
	[tilespmem:s26+$0xFFFFFFE0] =	vst v23  }
0x29: {  	[tilespmem:s26+$0xFFFFFFF0] =	vst v22  }
0x2a: {  	[tilespmem:s26+$0xFFFFFFB0] =	vst v19  }
0x2b: {  	[tilespmem:s26+$0xFFFFFFC0] =	vst v18  }
0x2c: {  	s31 =	sand.u32 $0x1FF0, s28;
	s28 =	smov.u32 s0;
	[tilespmem:s26+$0xFFFFFFD0] =	vst v20  }
0x2d: {  	[tilespmem:s31+$0xC200] =	vst v17;
	v17 =	vor.u32 v8, v16  }
0x2e: {  	[tilespmem:s26+$0x20] =	vst v17;
	v17 =	vor.u32 v15, v16  }
0x2f: {  	v18 =	vor.u32 v12, v16;
	[tilespmem:s26+$0x70] =	vst v17  }
0x30: {  	v17 =	vor.u32 v11, v16;
	[tilespmem:s26+$0x60] =	vst v18  }
0x31: {  	v18 =	vor.u32 v9, v16;
	v16 =	vor.u32 v10, v16;
	[tilespmem:s26+$0x50] =	vst v17  }
0x32: {  	[tilespmem:s26+$0x30] =	vst v18  }
0x33: {  	[tilespmem:s26+$0x40] =	vst v16;
	s26 =	smov.u32 s30  }
0x34: {  	v16 =	vld [tilespmem:s1+$0x0];
	_ =	sdelay $0x4  }
.Ltmp2:
0x35: {  	v16 =	vadd.s32 v13, v16;
	(pc) =	sbr.rel @p0 .LBB2_2-.Ltmp2, $4  }
0x36: {  	v16 =	vshll.u32 v16, $0x4  }
0x37: {  	v18 =	vor.u32 v0, v16;
	v20 =	vor.u32 v1, v16;
	v17 =	vor.u32 v7, v16  }
0x38: {  	v19 =	vor.u32 v2, v16;
	v21 =	vor.u32 v14, v16;
	[tilespmem:s30+$0xFFFFFF90] =	vst v18;
	v18 =	vor.u32 v3, v16  }
0x39: {  	v23 =	vor.u32 v5, v16;
	v22 =	vor.u32 v6, v16;
	[tilespmem:s30+$0xFFFFFFA0] =	vst v20;
	v20 =	vor.u32 v4, v16  }
0x3a: {  	[tilespmem:s26+$0x0] =	vst v21  }
0x3b: {  	[tilespmem:s26+$0xFFFFFFE0] =	vst v23  }
0x3c: {  	[tilespmem:s26+$0xFFFFFFF0] =	vst v22  }
0x3d: {  	[tilespmem:s26+$0xFFFFFFB0] =	vst v19  }
0x3e: {  	[tilespmem:s26+$0xFFFFFFC0] =	vst v18  }
0x3f: {  	[tilespmem:s26+$0xFFFFFFD0] =	vst v20;
	s0 =	sand.u32 $0x1FF0, s28  }
0x40: {  	[tilespmem:s0+$0xC200] =	vst v17;
	v17 =	vor.u32 v8, v16  }
0x41: {  	v62 =	vor.u32 v12, v16;
	[tilespmem:s26+$0x20] =	vst v17  }
0x42: {  	v63 =	vor.u32 v9, v16;
	[tilespmem:s26+$0x60] =	vst v62  }
0x43: {  	v17 =	vor.u32 v15, v16;
	[tilespmem:s26+$0x30] =	vst v63  }
0x44: {  	[tilespmem:s26+$0x70] =	vst v17;
	v17 =	vor.u32 v11, v16  }
0x45: {  	v16 =	vor.u32 v10, v16;
	[tilespmem:s26+$0x50] =	vst v17  }
0x46: {  	[tilespmem:s26+$0x40] =	vst v16  }
0x47: {  	_ =	swait.ge [sflag:s15], $0x1800  }
0x48: {  	[sflag:s15] =	ssyncset.done $0x0  }
0x49: {  	s20 =	simm.s32 $0xC180;
	s1 =	simm.s32 $0x11800;
	[sflag:s15] =	ssyncadd.s32 $0xFFFFE800  }
.Ltmp3:
0x4a: {  	s28 =	simm.s32 $0x3;
	[bflag:$0x0] =	sbarrier.arrive $0xFFFF;
	(pc) =	sbr.rel .LBB2_4-.Ltmp3, $4  }
0x4b: {  	[tilespmem:s18], [sflag:$0x1] =	stream.indirect.gather [spmem:s3], $0x80, s20, s16, $0xb8;
	[tilespmem:$0x1D800] =	vst v63  }
0x4c: {  	s29 =	smov.u32 s12;
	s30 =	smov.u32 s11;
	s26 =	simm.s32 $0xC200  }
0x4d: {  	[tilespmem:s1], [sflag:$0x2] =	stream.indirect.gather [spmem:s3], $0x80, s26, s16, $0xb8;
	[tilespmem:$0x1D800] =	vst v63  }
0x4e: {  	s31 =	smov.u32 s10;
	s26 =	simm.s32 $0x0;
	s1 =	simm.s32 $0x0  }
.LBB2_6:
0x4f: {  	_ =	swait.ge [sflag:s22], $0x4000;
	s17 =	sadd.s32 $0xFFFFFFFE, s28  }
0x50: {  	[sflag:s22] =	ssyncset.done $0x0;
	p1 =	sgt.u32 s17, $0x2C  }
0x51: {  	[sflag:s22] =	ssyncadd.s32 $0xFFFFC000;
	p2 =	seq.s32 @!p1 s28, $0x3  }
0x52: {  	[hbm4b:s31+s4] =	stream.linear.scatter [tilespmem:s18], [sflag:$0x5], $0x4000, $0x38;
	[tilespmem:$0x1D800] =	vst v63  }
0x53: {  	p3 =	por p2, p1  }
0x54: {  	s17 =	simm.s32 @!p3 $0x8  }
0x55: {  	p2 =	por !p2, p1;
	s19 =	sadd.s32 @!p3 $0x600, s26;
	_ =	swait.ge @!p3 [sflag:s17], $0x4000  }
0x56: {  	s19 =	simm.s32 @!p2 $0x600;
	[sflag:s17] =	ssyncset.done @!p3 $0x0  }
0x57: {  	[sflag:s17] =	ssyncadd.s32 @!p3 $0xFFFFC000;
	s17 =	sshra.s32 @!p1 s19, $0x2  }
0x58: {  	s20 =	simm.s32 @!p1 $0x19800;
	s19 =	simm.s32 @!p1 $0x80;
	s17 =	sadd.s32 @!p1 $0xC180, s17  }
0x59: {  	[tilespmem:s20], [sflag:$0x4] =	stream.indirect.gather @!p1 [spmem:s3], $0x80, s17, s19, $0xb8;
	[tilespmem:$0x1D800] =	vst v63  }
0x5a: {  	s17 =	simm.s32 @!p1 $0x2  }
0x5b: {  	_ =	swait.ge @!p1 [sflag:s17], $0x4000  }
0x5c: {  	[sflag:s17] =	ssyncset.done @!p1 $0x0  }
0x5d: {  	s19 =	simm.s32 @!p1 $0x11800;
	[sflag:s17] =	ssyncadd.s32 @!p1 $0xFFFFC000;
	s17 =	simm.s32 @!p1 $0x0  }
0x5e: {  	[hbm4b:s29+s17] =	stream.linear.scatter @!p1 [tilespmem:s19], [sflag:$0x6], $0x4000, $0x38;
	[tilespmem:$0x1D800] =	vst v63  }
0x5f: {  	s17 =	simm.s32 @p0 $0x5  }
0x60: {  	p1 =	seq.s32 @p0 s28, $0x2F;
	_ =	swait.ge @p0 [sflag:s17], $0x4000  }
0x61: {  	p1 =	por p1, !p0;
	[sflag:s17] =	ssyncset.done @p0 $0x0  }
0x62: {  	s0 =	sshll.u32 @p0 s0, $0xE;
	[sflag:s17] =	ssyncadd.s32 @p0 $0xFFFFC000;
	s17 =	sshra.s32 @!p1 s26, $0x2  }
0x63: {  	s19 =	simm.s32 @!p1 $0x80;
	s20 =	simm.s32 @!p1 $0xD800;
	s17 =	sadd.s32 @!p1 $0xC380, s17  }
0x64: {  	[tilespmem:s20], [sflag:$0x1] =	stream.indirect.gather @!p1 [spmem:s3], $0x80, s17, s19, $0xb8;
	[tilespmem:$0x1D800] =	vst v63  }
0x65: {  	s0 =	sadd.s32 @p0 s8, s0;
	s17 =	simm.s32 @p0 $0x3  }
0x66: {  	s0 =	sshrl.u32 @p0 s0, $0x3;
	_ =	swait.ge @p0 [sflag:s17], $0x4000  }
0x67: {  	s0 =	sadd.s32 @p0 s2, s0;
	[sflag:s17] =	ssyncset.done @p0 $0x0  }
0x68: {  	s19 =	simm.s32 @p0 $0x15800;
	[sflag:s17] =	ssyncadd.s32 @p0 $0xFFFFC000;
	s17 =	simm.s32 @p0 $0x0  }
0x69: {  	[hbm4b:s0+s17] =	stream.linear.scatter @p0 [tilespmem:s19], [sflag:$0x7], $0x4000, $0x38;
	[tilespmem:$0x1D800] =	vst v63  }
0x6a: {  	p0 =	sgt.u32 s28, $0x2C  }
0x6b: {  	s0 =	simm.s32 @!p0 $0x6  }
0x6c: {  	p1 =	sgt.u32 @!p0 s1, $0x9;
	_ =	swait.ge @!p0 [sflag:s0], $0x4000  }
0x6d: {  	p1 =	por p1, p0;
	[sflag:s0] =	ssyncset.done @!p0 $0x0  }
0x6e: {  	[sflag:s0] =	ssyncadd.s32 @!p0 $0xFFFFC000;
	s0 =	sshra.s32 @!p1 s26, $0x2  }
0x6f: {  	s17 =	simm.s32 @!p1 $0x80;
	s19 =	simm.s32 @!p1 $0x11800;
	s0 =	sadd.s32 @!p1 $0xC400, s0  }
0x70: {  	[tilespmem:s19], [sflag:$0x2] =	stream.indirect.gather @!p1 [spmem:s3], $0x80, s0, s17, $0xb8;
	[tilespmem:$0x1D800] =	vst v63  }
0x71: {  	s0 =	simm.s32 @!p0 $0x4  }
0x72: {  	_ =	swait.ge @!p0 [sflag:s0], $0x4000  }
0x73: {  	s28 =	sadd.s32 $0x4, s28;
	[sflag:s0] =	ssyncset.done @!p0 $0x0  }
0x74: {  	s17 =	simm.s32 @!p0 $0x19800;
	[sflag:s0] =	ssyncadd.s32 @!p0 $0xFFFFC000;
	s0 =	simm.s32 @!p0 $0x0  }
0x75: {  	[hbm4b:s30+s0] =	stream.linear.scatter @!p0 [tilespmem:s17], [sflag:$0x8], $0x4000, $0x38;
	[tilespmem:$0x1D800] =	vst v63  }
0x76: {  	p0 =	sne.s32 s28, $0x33  }
.Ltmp4:
0x77: {  	_ = 	snop;
	(pc) =	sbr.rel @!p0 .LBB2_7-.Ltmp4, $3  }
0x78: {  	_ =	sdelay $0x1  }
0x79: {  	s31 =	sadd.s32 $0x2000, s31;
	s29 =	sadd.s32 $0x2000, s29  }
0x7a: {  	s1 =	sadd.s32 $0x1, s1;
	s26 =	sadd.s32 $0x800, s26;
	s30 =	sadd.s32 $0x2000, s30  }
.LBB2_4:
0x7b: {  	p1 =	seq.s32 s28, $0x3  }
0x7c: {  	s0 =	sadd.s32 @!p1 $0xFFFFFFFF, s28  }
0x7d: {  	p0 =	sgt.u32 @!p1 s0, $0x2C  }
0x7e: {  	p2 =	por p1, !p0  }
.Ltmp5:
0x7f: {  	_ = 	snop;
	(pc) =	sbr.rel @!p2 .LBB2_6-.Ltmp5, $4  }
0x80: {  	s17 =	simm.s32 @!p1 $0x7  }
0x81: {  	_ =	swait.ge @!p1 [sflag:s17], $0x4000  }
0x82: {  	[sflag:s17] =	ssyncset.done @!p1 $0x0  }
0x83: {  	p0 =	por @!p1 $0x0, $0x0;
	[sflag:s17] =	ssyncadd.s32 @!p1 $0xFFFFC000  }
.Ltmp6:
0x84: {  	s0 =	simm.s32 @p1 $0x2;
	(pc) =	sbr.rel .LBB2_6-.Ltmp6, $4  }
0x85: {  	s17 =	sshll.u32 s0, $0x7  }
0x86: {  	s17 =	sand.u32 $0x3FFFFF80, s17  }
0x87: {  	p0 =	por $0x1, $0x1;
	s17 =	sadd.s32 $0xC180, s17  }
0x88: {  	[tilespmem:s21], [sflag:$0x3] =	stream.indirect.gather [spmem:s3], $0x80, s17, s16, $0xb8;
	[tilespmem:$0x1D800] =	vst v63  }
.LBB2_8:
0x89: {  	_ =	sfence.sel $0x180000  }
0x8a: {  	[bflag:$0x0] =	sbarrier.arrive $0xFFFF  }
0x8b: {  	_ =	strace $0x90000047  }
0x8c: {  	s0 =	stileid.u32;
	[bflag:$0x2] =	sbarrier.arrive $0xFFFF  }
0x8d: {  	p0 =	sne.s32 s0, $0x0;
	s0 =	rddreg [dreg:$0x4]  }
0x8e: {  	s0 =	sadd.s32 @!p0 $0x100000, s0  }
0x8f: {  	[sflag:s0] =	ssyncadd.tile.s32 @!p0 $0x1;
	_ =	shalt  }
.Lfunc_end2:
_tile_overlayer_lowered:
.L_overlay_start_2:
0x90: {  	(tag) =	ssettag $0x2  }
0x91: {  	s0 =	rddreg [dreg:$0x0];
	s2 =	stileid.u32  }
0x92: {  	s1 =	rddreg [dreg:$0x1];
	p0 =	sne.s32 s2, $0x0  }
0x93: {  	s3 =	rddreg [dreg:$0x2];
	[bflag:$0x3] =	sbarrier.arrive $0xFFFF;
	s2 =	simm.s32 @!p0 $0x1C0A  }
0x94: {  	[timem:s3], [sflag:s2] =	dma.local @!p0 [hbm:s0], s1  }
0x95: {  	s0 =	simm.s32 @!p0 $0xA  }
0x96: {  	_ =	swait.ge @!p0 [sflag:s0], s1  }
0x97: {  	s1 =	ssub.s32 @!p0 $0x0, s1;
	[sflag:s0] =	ssyncset.done @!p0 $0x0  }
0x98: {  	[sflag:s0] =	ssyncadd.s32 @!p0 s1  }
0x99: {  	[bflag:$0x3] =	sbarrier.arrive $0xFFFF  }
0x9a: {  	_ =	shalt  }

</sc_bundles>
